<compile_context>
chip_gen: v7x
topology: tpu7x:2x2x1
jax: 0.10.2.dev20260603
libtpu: 0.0.44.dev20260713+nightly
codegen_flags: <defaults>
</compile_context>

<pallas_src>
import functools

import jax
import jax.numpy as jnp
from jax import lax
from jax.experimental import pallas as pl
from jax.experimental.pallas import tpu as pltpu
from jax.experimental.pallas import tpu_sc as plsc

N = 10000
E = 320000
D = 128
DH = D // 2
NC = 2
NS = 16
EPT = E // NS
CHUNK = 80
NCHUNK = EPT // CHUNK
NBUF = 2
NP = 10240
RPT = NP // NS


def _sc_aggregate(x0, x1, eidx4):
    mesh = plsc.VectorSubcoreMesh(core_axis_name="c", subcore_axis_name="s")

    @functools.partial(
        pl.kernel,
        out_type=[
            jax.ShapeDtypeStruct((NC, NP, DH), jnp.float32),
            jax.ShapeDtypeStruct((NC, NP, 16), jnp.float32),
        ],
        mesh=mesh,
        compiler_params=pltpu.CompilerParams(use_tc_tiling_on_sc=False),
        scratch_types=[
            pltpu.VMEM((NCHUNK + NBUF, CHUNK), jnp.int32),
            pltpu.VMEM((NCHUNK, CHUNK), jnp.int32),
            [pltpu.VMEM((CHUNK, DH), jnp.float32)] * NBUF,
            pltpu.VMEM((CHUNK, 16), jnp.float32),
            pltpu.VMEM((CHUNK, 16), jnp.float32),
            pltpu.VMEM_SHARED((NP, DH), jnp.float32),
            pltpu.VMEM_SHARED((NP, 16), jnp.float32),
            [pltpu.SemaphoreType.DMA] * NBUF,
            [pltpu.SemaphoreType.DMA] * NBUF,
            pltpu.SemaphoreType.DMA,
        ],
    )
    def body(x0_hbm, x1_hbm, eidx_hbm, agg_out, deg_out,
             srcb, dstb, bufs, ones, zer16, agg_sh, deg_sh,
             gsems, ssems, dsem):
        c = lax.axis_index("c")
        s = lax.axis_index("s")

        zv = jnp.zeros((16,), jnp.float32)
        zvi = jnp.zeros((16,), jnp.int32)
        ov = jnp.ones((16,), jnp.float32)

        def zfill(i, carry):
            bufs[0][i // 4, pl.ds((i % 4) * 16, 16)] = zv
            return carry
        lax.fori_loop(0, CHUNK * 4, zfill, 0)

        for r in range(NCHUNK, NCHUNK + NBUF):
            for j in range(CHUNK // 16):
                srcb[r, pl.ds(j * 16, 16)] = zvi

        def z16fill(i, carry):
            zer16[i] = zv
            return carry
        lax.fori_loop(0, CHUNK, z16fill, 0)

        def ofill(i, carry):
            ones[i] = ov
            return carry
        lax.fori_loop(0, CHUNK, ofill, 0)

        init_handles = [
            pltpu.async_copy(eidx_hbm.at[0, s], srcb.at[pl.ds(0, NCHUNK)],
                             ssems[0]),
            pltpu.async_copy(eidx_hbm.at[1, s], dstb, ssems[1]),
        ]
        for j in range(RPT // CHUNK):
            base = s * RPT + j * CHUNK
            init_handles.append(pltpu.async_copy(
                bufs[0], agg_sh.at[pl.ds(base, CHUNK)], gsems[0]))
            init_handles.append(pltpu.async_copy(
                zer16, deg_sh.at[pl.ds(base, CHUNK)], gsems[1]))
        for h in init_handles:
            h.wait()

        plsc.subcore_barrier()

        def run_loop(x_hbm, deg_par):
            rows0, rows1 = bufs[0], bufs[1]
            sem0, sem1 = gsems[0], gsems[1]
            pltpu.async_copy(x_hbm.at[srcb.at[0]], rows0, sem0)

            def pair(p, carry):
                t0 = 2 * p
                g1 = pltpu.async_copy(x_hbm.at[srcb.at[t0 + 1]], rows1, sem1)
                pltpu.make_async_copy(x_hbm.at[srcb.at[t0]], rows0,
                                      sem0).wait()
                pltpu.sync_copy(rows0, agg_sh.at[dstb.at[t0]], add=True)
                if deg_par == 0:
                    pltpu.sync_copy(ones, deg_sh.at[dstb.at[t0]], add=True)
                pltpu.async_copy(x_hbm.at[srcb.at[t0 + 2]], rows0, sem0)
                g1.wait()
                pltpu.sync_copy(rows1, agg_sh.at[dstb.at[t0 + 1]], add=True)
                if deg_par == 1:
                    pltpu.sync_copy(ones, deg_sh.at[dstb.at[t0 + 1]],
                                    add=True)
                return carry
            lax.fori_loop(0, NCHUNK // 2, pair, 0)
            pltpu.make_async_copy(x_hbm.at[srcb.at[NCHUNK]], rows0,
                                  sem0).wait()

        @pl.when(c == 0)
        def _():
            run_loop(x0_hbm, 0)

        @pl.when(c == 1)
        def _():
            run_loop(x1_hbm, 1)

        plsc.subcore_barrier()

        wb0 = pltpu.async_copy(agg_sh.at[pl.ds(s * RPT, RPT)],
                               agg_out.at[c, pl.ds(s * RPT, RPT)], gsems[0])
        wb1 = pltpu.async_copy(deg_sh.at[pl.ds(s * RPT, RPT)],
                               deg_out.at[c, pl.ds(s * RPT, RPT)], gsems[1])
        wb0.wait()
        wb1.wait()

    return body(x0, x1, eidx4)


BN = 2000


def _tc_split(x):
    def body(x_ref, o0_ref, o1_ref):
        o0_ref[...] = x_ref[:, 0:DH]
        o1_ref[...] = x_ref[:, DH:D]

    return pl.pallas_call(
        body,
        grid=(N // BN,),
        in_specs=[pl.BlockSpec((BN, D), lambda i: (i, 0))],
        out_specs=[pl.BlockSpec((BN, DH), lambda i: (i, 0)),
                   pl.BlockSpec((BN, DH), lambda i: (i, 0))],
        out_shape=[jax.ShapeDtypeStruct((N, DH), jnp.float32),
                   jax.ShapeDtypeStruct((N, DH), jnp.float32)],
    )(x)


def _tc_combine(aggsum, degbuf, x, wl_t, wr_t, b_row):
    def body(agg_ref, deg_ref, x_ref, wl_ref, wr_ref, b_ref, o_ref):
        d = deg_ref[0, :, 0:1] + deg_ref[1, :, 0:1]
        inv = 1.0 / jnp.maximum(d, 1.0)
        a0 = agg_ref[0] * inv
        a1 = agg_ref[1] * inv
        out = jnp.dot(a0, wl_ref[0:DH, :], preferred_element_type=jnp.float32)
        out = out + jnp.dot(a1, wl_ref[DH:D, :],
                            preferred_element_type=jnp.float32)
        out = out + jnp.dot(x_ref[...], wr_ref[...],
                            preferred_element_type=jnp.float32)
        out = out + b_ref[...]
        o_ref[...] = jnp.maximum(out, 0.0)

    return pl.pallas_call(
        body,
        grid=(N // BN,),
        in_specs=[
            pl.BlockSpec((NC, BN, DH), lambda i: (0, i, 0)),
            pl.BlockSpec((NC, BN, 16), lambda i: (0, i, 0)),
            pl.BlockSpec((BN, D), lambda i: (i, 0)),
            pl.BlockSpec((D, D), lambda i: (0, 0)),
            pl.BlockSpec((D, D), lambda i: (0, 0)),
            pl.BlockSpec((1, D), lambda i: (0, 0)),
        ],
        out_specs=pl.BlockSpec((BN, D), lambda i: (i, 0)),
        out_shape=jax.ShapeDtypeStruct((N, D), jnp.float32),
    )(aggsum, degbuf, x, wl_t, wr_t, b_row)


@jax.jit
def kernel(x, edge_index, W_l, b_l, W_r):
    x0, x1 = _tc_split(x)
    eidx4 = edge_index.reshape(2, NS, NCHUNK, CHUNK)
    aggsum, degbuf = _sc_aggregate(x0, x1, eidx4)
    return _tc_combine(aggsum, degbuf, x, W_l.T, W_r.T, b_l.reshape(1, D))

# --- scband reference (transcript-rebuilt; emitter-appended) ---
"""Pipeline reference for scband-sagelayer-45062796869926 (READ-ONLY COPY).

The authoritative reference and input builder live on the scoring server;
editing this copy changes nothing except your own understanding.
"""

import jax, jax.numpy as jnp
import numpy as np

N = 10000
E = 320000
D_IN = 128
D_OUT = 128


def setup_inputs(seed: int = 0) -> dict:
    key = jax.random.key(seed)
    k1, k2, k3, k4 = jax.random.split(key, 4)
    x = jax.random.normal(k1, (N, D_IN), dtype=jnp.float32)
    edge_index = jax.random.randint(k2, (2, E), 0, N, dtype=jnp.int32)
    # Xavier-uniform init for the two SAGEConv linear layers (lin_l has bias, lin_r does not)
    limit = float(np.sqrt(6.0 / (D_IN + D_OUT)))
    W_l = jax.random.uniform(k3, (D_OUT, D_IN), dtype=jnp.float32, minval=-limit, maxval=limit)
    b_l = jnp.zeros((D_OUT,), dtype=jnp.float32)
    W_r = jax.random.uniform(k4, (D_OUT, D_IN), dtype=jnp.float32, minval=-limit, maxval=limit)
    return {"x": x, "edge_index": edge_index, "W_l": W_l, "b_l": b_l, "W_r": W_r}


def reference(x, edge_index, W_l, b_l, W_r):
    # PyG SAGEConv with mean aggregation:
    #   out = lin_l(mean_{j in N(i)} x_j) + lin_r(x_i)
    src = edge_index[0]
    dst = edge_index[1]
    msg = jnp.take(x, src, axis=0)                                  # gather  [E, D_IN]
    agg_sum = jax.ops.segment_sum(msg, dst, num_segments=N)         # scatter-add [N, D_IN]
    deg = jax.ops.segment_sum(jnp.ones((E,), dtype=x.dtype), dst, num_segments=N)
    agg = agg_sum / jnp.clip(deg, 1.0, None)[:, None]               # mean over neighbors
    out = agg @ W_l.T + b_l + x @ W_r.T
    # last=False -> apply activation (act='relu')
    return jax.nn.relu(out)

if __name__ == "__main__":
    import jax
    _d = setup_inputs()
    print(jax.jit(kernel)(*tuple(_d.values())))

</pallas_src>

<mosaic_0001>
#map = affine_map<(d0, d1) -> (0, 0)>
#map1 = affine_map<(d0, d1) -> (0, 0, 0, 0)>
#map2 = affine_map<(d0, d1) -> (0, 0, 0)>
module attributes {stable_mosaic.version = 14 : i64} {
  func.func @body(%arg0: i32, %arg1: i32, %arg2: memref<10000x64xf32, #tpu.memory_space<hbm>>, %arg3: memref<10000x64xf32, #tpu.memory_space<hbm>>, %arg4: memref<2x16x250x80xi32, #tpu.memory_space<hbm>>, %arg5: memref<2x10240x64xf32, #tpu.memory_space<hbm>>, %arg6: memref<2x10240x16xf32, #tpu.memory_space<hbm>>, %arg7: memref<252x80xi32, #tpu.memory_space<vmem>>, %arg8: memref<250x80xi32, #tpu.memory_space<vmem>>, %arg9: memref<80x64xf32, #tpu.memory_space<vmem>>, %arg10: memref<80x64xf32, #tpu.memory_space<vmem>>, %arg11: memref<80x16xf32, #tpu.memory_space<vmem>>, %arg12: memref<80x16xf32, #tpu.memory_space<vmem>>, %arg13: memref<10240x64xf32, #tpu.memory_space<vmem_shared>>, %arg14: memref<10240x16xf32, #tpu.memory_space<vmem_shared>>, %arg15: memref<!tpu.dma_semaphore, #tpu.memory_space<semaphore_mem>>, %arg16: memref<!tpu.dma_semaphore, #tpu.memory_space<semaphore_mem>>, %arg17: memref<!tpu.dma_semaphore, #tpu.memory_space<semaphore_mem>>, %arg18: memref<!tpu.dma_semaphore, #tpu.memory_space<semaphore_mem>>, %arg19: memref<!tpu.dma_semaphore, #tpu.memory_space<semaphore_mem>>) attributes {dimension_semantics = [#tpu.dimension_semantics<core_parallel>, #tpu.dimension_semantics<subcore_parallel>], iteration_bounds = array<i64: 2, 16>, scalar_prefetch = 0 : i64, scratch_operands = 13 : i64, tpu.core_type = #tpu.core_type<sc_vector_subcore>, window_params = [{transform_indices = #map}, {transform_indices = #map}, {transform_indices = #map1}, {transform_indices = #map2}, {transform_indices = #map2}]} {
    %broadcast_in_dim3A = arith.constant 0.000000e+00 : f32
    %broadcast_in_dim3A_0 = vector.broadcast %broadcast_in_dim3A : f32 to vector<16xf32>
    %broadcast_in_dim3A_1 = arith.constant 0 : i32
    %broadcast_in_dim3A_2 = vector.broadcast %broadcast_in_dim3A_1 : i32 to vector<16xi32>
    %broadcast_in_dim3A_3 = arith.constant 1.000000e+00 : f32
    %broadcast_in_dim3A_4 = vector.broadcast %broadcast_in_dim3A_3 : f32 to vector<16xf32>
    %scan3A = arith.constant 0 : i32
    %scan3A_5 = arith.constant 0 : i32
    %scan3A_6 = arith.constant 320 : i32
    %scan3A_7 = arith.addi %scan3A_5, %scan3A_6 : i32
    %scan3A_8 = arith.constant 1 : i32
    scf.for %scan3A_321 = %scan3A_5 to %scan3A_7 step %scan3A_8  : i32 {
      %jit3A = arith.constant 4 : i32
      %div3A = arith.divsi %scan3A_321, %jit3A : i32
      %sign3A = arith.constant 0 : i32
      %sign3A_322 = arith.cmpi sgt, %scan3A_321, %sign3A : i32
      %sign3A_323 = arith.extui %sign3A_322 : i1 to i32
      %sign3A_324 = arith.constant 0 : i32
      %sign3A_325 = arith.cmpi slt, %scan3A_321, %sign3A_324 : i32
      %sign3A_326 = arith.extui %sign3A_325 : i1 to i32
      %sign3A_327 = arith.subi %sign3A_323, %sign3A_326 : i32
      %sign3A_328 = arith.constant 0 : i32
      %sign3A_329 = arith.cmpi sgt, %jit3A, %sign3A_328 : i32
      %sign3A_330 = arith.extui %sign3A_329 : i1 to i32
      %sign3A_331 = arith.constant 0 : i32
      %sign3A_332 = arith.cmpi slt, %jit3A, %sign3A_331 : i32
      %sign3A_333 = arith.extui %sign3A_332 : i1 to i32
      %sign3A_334 = arith.subi %sign3A_330, %sign3A_333 : i32
      %ne3A = arith.cmpi ne, %sign3A_327, %sign3A_334 : i32
      %rem3A = arith.remsi %scan3A_321, %jit3A : i32
      %ne3A_335 = arith.constant 0 : i32
      %ne3A_336 = arith.cmpi ne, %rem3A, %ne3A_335 : i32
      %and3A = arith.andi %ne3A, %ne3A_336 : i1
      %sub3A = arith.constant 1 : i32
      %sub3A_337 = arith.subi %div3A, %sub3A : i32
      %select_n3A = arith.select %and3A, %sub3A_337, %div3A : i32
      %jit3A_338 = arith.constant 4 : i32
      %eq3A_339 = arith.constant 0 : i32
      %eq3A_340 = arith.cmpi eq, %jit3A_338, %eq3A_339 : i32
      %jit3A_341 = arith.constant 1 : i32
      %select_n3A_342 = arith.select %eq3A_340, %jit3A_341, %jit3A_338 : i32
      %rem3A_343 = arith.remsi %scan3A_321, %select_n3A_342 : i32
      %ne3A_344 = arith.constant 0 : i32
      %ne3A_345 = arith.cmpi ne, %rem3A_343, %ne3A_344 : i32
      %lt3A = arith.constant 0 : i32
      %lt3A_346 = arith.cmpi slt, %rem3A_343, %lt3A : i32
      %lt3A_347 = arith.constant 0 : i32
      %lt3A_348 = arith.cmpi slt, %select_n3A_342, %lt3A_347 : i32
      %ne3A_349 = arith.xori %lt3A_346, %lt3A_348 : i1
      %and3A_350 = arith.andi %ne3A_349, %ne3A_345 : i1
      %add3A_351 = arith.addi %rem3A_343, %select_n3A_342 : i32
      %select_n3A_352 = arith.select %and3A_350, %add3A_351, %rem3A_343 : i32
      %mul3A_353 = arith.constant 16 : i32
      %mul3A_354 = arith.muli %select_n3A_352, %mul3A_353 : i32
      %swap3A_355 = arith.index_cast %select_n3A : i32 to index
      %swap3A_356 = arith.index_cast %mul3A_354 : i32 to index
      %swap3A_357 = tpu.vector_load %arg9[%swap3A_355, %swap3A_356] {strides = array<i32>} : memref<80x64xf32, #tpu.memory_space<vmem>>, vector<1x16xf32>,
      %swap3A_358 = vector.shape_cast %swap3A_357 : vector<1x16xf32> to vector<16xf32>
      %swap3A_359 = vector.shape_cast %broadcast_in_dim3A_0 : vector<16xf32> to vector<1x16xf32>
      tpu.vector_store %arg9[%swap3A_355, %swap3A_356], %swap3A_359 {strides = array<i32>} : memref<80x64xf32, #tpu.memory_space<vmem>>, vector<1x16xf32>,
    }
    %scan3A_9 = arith.constant 320 : i32
    %swap3A = arith.constant 250 : i32
    %swap3A_10 = arith.index_cast %swap3A : i32 to index
    %swap3A_11 = arith.constant 0 : index
    %swap3A_12 = tpu.vector_load %arg7[%swap3A_10, %swap3A_11] {strides = array<i32>} : memref<252x80xi32, #tpu.memory_space<vmem>>, vector<1x16xi32>,
    %swap3A_13 = vector.shape_cast %swap3A_12 : vector<1x16xi32> to vector<16xi32>
    %swap3A_14 = vector.shape_cast %broadcast_in_dim3A_2 : vector<16xi32> to vector<1x16xi32>
    tpu.vector_store %arg7[%swap3A_10, %swap3A_11], %swap3A_14 {strides = array<i32>} : memref<252x80xi32, #tpu.memory_space<vmem>>, vector<1x16xi32>,
    %swap3A_15 = arith.constant 250 : i32
    %swap3A_16 = arith.index_cast %swap3A_15 : i32 to index
    %swap3A_17 = arith.constant 16 : index
    %swap3A_18 = tpu.vector_load %arg7[%swap3A_16, %swap3A_17] {strides = array<i32>} : memref<252x80xi32, #tpu.memory_space<vmem>>, vector<1x16xi32>,
    %swap3A_19 = vector.shape_cast %swap3A_18 : vector<1x16xi32> to vector<16xi32>
    %swap3A_20 = vector.shape_cast %broadcast_in_dim3A_2 : vector<16xi32> to vector<1x16xi32>
    tpu.vector_store %arg7[%swap3A_16, %swap3A_17], %swap3A_20 {strides = array<i32>} : memref<252x80xi32, #tpu.memory_space<vmem>>, vector<1x16xi32>,
    %swap3A_21 = arith.constant 250 : i32
    %swap3A_22 = arith.index_cast %swap3A_21 : i32 to index
    %swap3A_23 = arith.constant 32 : index
    %swap3A_24 = tpu.vector_load %arg7[%swap3A_22, %swap3A_23] {strides = array<i32>} : memref<252x80xi32, #tpu.memory_space<vmem>>, vector<1x16xi32>,
    %swap3A_25 = vector.shape_cast %swap3A_24 : vector<1x16xi32> to vector<16xi32>
    %swap3A_26 = vector.shape_cast %broadcast_in_dim3A_2 : vector<16xi32> to vector<1x16xi32>
    tpu.vector_store %arg7[%swap3A_22, %swap3A_23], %swap3A_26 {strides = array<i32>} : memref<252x80xi32, #tpu.memory_space<vmem>>, vector<1x16xi32>,
    %swap3A_27 = arith.constant 250 : i32
    %swap3A_28 = arith.index_cast %swap3A_27 : i32 to index
    %swap3A_29 = arith.constant 48 : index
    %swap3A_30 = tpu.vector_load %arg7[%swap3A_28, %swap3A_29] {strides = array<i32>} : memref<252x80xi32, #tpu.memory_space<vmem>>, vector<1x16xi32>,
    %swap3A_31 = vector.shape_cast %swap3A_30 : vector<1x16xi32> to vector<16xi32>
    %swap3A_32 = vector.shape_cast %broadcast_in_dim3A_2 : vector<16xi32> to vector<1x16xi32>
    tpu.vector_store %arg7[%swap3A_28, %swap3A_29], %swap3A_32 {strides = array<i32>} : memref<252x80xi32, #tpu.memory_space<vmem>>, vector<1x16xi32>,
    %swap3A_33 = arith.constant 250 : i32
    %swap3A_34 = arith.index_cast %swap3A_33 : i32 to index
    %swap3A_35 = arith.constant 64 : index
    %swap3A_36 = tpu.vector_load %arg7[%swap3A_34, %swap3A_35] {strides = array<i32>} : memref<252x80xi32, #tpu.memory_space<vmem>>, vector<1x16xi32>,
    %swap3A_37 = vector.shape_cast %swap3A_36 : vector<1x16xi32> to vector<16xi32>
    %swap3A_38 = vector.shape_cast %broadcast_in_dim3A_2 : vector<16xi32> to vector<1x16xi32>
    tpu.vector_store %arg7[%swap3A_34, %swap3A_35], %swap3A_38 {strides = array<i32>} : memref<252x80xi32, #tpu.memory_space<vmem>>, vector<1x16xi32>,
    %swap3A_39 = arith.constant 251 : i32
    %swap3A_40 = arith.index_cast %swap3A_39 : i32 to index
    %swap3A_41 = arith.constant 0 : index
    %swap3A_42 = tpu.vector_load %arg7[%swap3A_40, %swap3A_41] {strides = array<i32>} : memref<252x80xi32, #tpu.memory_space<vmem>>, vector<1x16xi32>,
    %swap3A_43 = vector.shape_cast %swap3A_42 : vector<1x16xi32> to vector<16xi32>
    %swap3A_44 = vector.shape_cast %broadcast_in_dim3A_2 : vector<16xi32> to vector<1x16xi32>
    tpu.vector_store %arg7[%swap3A_40, %swap3A_41], %swap3A_44 {strides = array<i32>} : memref<252x80xi32, #tpu.memory_space<vmem>>, vector<1x16xi32>,
    %swap3A_45 = arith.constant 251 : i32
    %swap3A_46 = arith.index_cast %swap3A_45 : i32 to index
    %swap3A_47 = arith.constant 16 : index
    %swap3A_48 = tpu.vector_load %arg7[%swap3A_46, %swap3A_47] {strides = array<i32>} : memref<252x80xi32, #tpu.memory_space<vmem>>, vector<1x16xi32>,
    %swap3A_49 = vector.shape_cast %swap3A_48 : vector<1x16xi32> to vector<16xi32>
    %swap3A_50 = vector.shape_cast %broadcast_in_dim3A_2 : vector<16xi32> to vector<1x16xi32>
    tpu.vector_store %arg7[%swap3A_46, %swap3A_47], %swap3A_50 {strides = array<i32>} : memref<252x80xi32, #tpu.memory_space<vmem>>, vector<1x16xi32>,
    %swap3A_51 = arith.constant 251 : i32
    %swap3A_52 = arith.index_cast %swap3A_51 : i32 to index
    %swap3A_53 = arith.constant 32 : index
    %swap3A_54 = tpu.vector_load %arg7[%swap3A_52, %swap3A_53] {strides = array<i32>} : memref<252x80xi32, #tpu.memory_space<vmem>>, vector<1x16xi32>,
    %swap3A_55 = vector.shape_cast %swap3A_54 : vector<1x16xi32> to vector<16xi32>
    %swap3A_56 = vector.shape_cast %broadcast_in_dim3A_2 : vector<16xi32> to vector<1x16xi32>
    tpu.vector_store %arg7[%swap3A_52, %swap3A_53], %swap3A_56 {strides = array<i32>} : memref<252x80xi32, #tpu.memory_space<vmem>>, vector<1x16xi32>,
    %swap3A_57 = arith.constant 251 : i32
    %swap3A_58 = arith.index_cast %swap3A_57 : i32 to index
    %swap3A_59 = arith.constant 48 : index
    %swap3A_60 = tpu.vector_load %arg7[%swap3A_58, %swap3A_59] {strides = array<i32>} : memref<252x80xi32, #tpu.memory_space<vmem>>, vector<1x16xi32>,
    %swap3A_61 = vector.shape_cast %swap3A_60 : vector<1x16xi32> to vector<16xi32>
    %swap3A_62 = vector.shape_cast %broadcast_in_dim3A_2 : vector<16xi32> to vector<1x16xi32>
    tpu.vector_store %arg7[%swap3A_58, %swap3A_59], %swap3A_62 {strides = array<i32>} : memref<252x80xi32, #tpu.memory_space<vmem>>, vector<1x16xi32>,
    %swap3A_63 = arith.constant 251 : i32
    %swap3A_64 = arith.index_cast %swap3A_63 : i32 to index
    %swap3A_65 = arith.constant 64 : index
    %swap3A_66 = tpu.vector_load %arg7[%swap3A_64, %swap3A_65] {strides = array<i32>} : memref<252x80xi32, #tpu.memory_space<vmem>>, vector<1x16xi32>,
    %swap3A_67 = vector.shape_cast %swap3A_66 : vector<1x16xi32> to vector<16xi32>
    %swap3A_68 = vector.shape_cast %broadcast_in_dim3A_2 : vector<16xi32> to vector<1x16xi32>
    tpu.vector_store %arg7[%swap3A_64, %swap3A_65], %swap3A_68 {strides = array<i32>} : memref<252x80xi32, #tpu.memory_space<vmem>>, vector<1x16xi32>,
    %scan3A_69 = arith.constant 0 : i32
    %scan3A_70 = arith.constant 0 : i32
    %scan3A_71 = arith.constant 80 : i32
    %scan3A_72 = arith.addi %scan3A_70, %scan3A_71 : i32
    %scan3A_73 = arith.constant 1 : i32
    scf.for %scan3A_321 = %scan3A_70 to %scan3A_72 step %scan3A_73  : i32 {
      %swap3A_322 = arith.index_cast %scan3A_321 : i32 to index
      %swap3A_323 = arith.constant 0 : index
      %swap3A_324 = tpu.vector_load %arg12[%swap3A_322, %swap3A_323] {strides = array<i32>} : memref<80x16xf32, #tpu.memory_space<vmem>>, vector<1x16xf32>,
      %swap3A_325 = vector.shape_cast %swap3A_324 : vector<1x16xf32> to vector<16xf32>
      %swap3A_326 = vector.shape_cast %broadcast_in_dim3A_0 : vector<16xf32> to vector<1x16xf32>
      tpu.vector_store %arg12[%swap3A_322, %swap3A_323], %swap3A_326 {strides = array<i32>} : memref<80x16xf32, #tpu.memory_space<vmem>>, vector<1x16xf32>,
    }
    %scan3A_74 = arith.constant 80 : i32
    %scan3A_75 = arith.constant 0 : i32
    %scan3A_76 = arith.constant 0 : i32
    %scan3A_77 = arith.constant 80 : i32
    %scan3A_78 = arith.addi %scan3A_76, %scan3A_77 : i32
    %scan3A_79 = arith.constant 1 : i32
    scf.for %scan3A_321 = %scan3A_76 to %scan3A_78 step %scan3A_79  : i32 {
      %swap3A_322 = arith.index_cast %scan3A_321 : i32 to index
      %swap3A_323 = arith.constant 0 : index
      %swap3A_324 = tpu.vector_load %arg11[%swap3A_322, %swap3A_323] {strides = array<i32>} : memref<80x16xf32, #tpu.memory_space<vmem>>, vector<1x16xf32>,
      %swap3A_325 = vector.shape_cast %swap3A_324 : vector<1x16xf32> to vector<16xf32>
      %swap3A_326 = vector.shape_cast %broadcast_in_dim3A_4 : vector<16xf32> to vector<1x16xf32>
      tpu.vector_store %arg11[%swap3A_322, %swap3A_323], %swap3A_326 {strides = array<i32>} : memref<80x16xf32, #tpu.memory_space<vmem>>, vector<1x16xf32>,
    }
    %scan3A_80 = arith.constant 80 : i32
    %dma_start3A = arith.constant 0 : i32
    %dma_start3A_81 = arith.constant 0 : i32
    %dma_start3A_82 = arith.constant 0 : i32
    %dma_start3A_83 = tpu.memref_slice %arg7[%dma_start3A_81, %dma_start3A_82] : memref<252x80xi32, #tpu.memory_space<vmem>> -> memref<250x80xi32, #tpu.memory_space<vmem>>
    %dma_start3A_84 = arith.constant 0 : i32
    %dma_start3A_85 = arith.constant 0 : i32
    %dma_start3A_86 = tpu.memref_slice %arg4[%dma_start3A, %arg1, %dma_start3A_84, %dma_start3A_85] : memref<2x16x250x80xi32, #tpu.memory_space<hbm>> -> memref<1x1x250x80xi32, #tpu.memory_space<hbm>>
    %dma_start3A_87 = tpu.memref_squeeze %dma_start3A_86 : memref<1x1x250x80xi32, #tpu.memory_space<hbm>> -> memref<250x80xi32, #tpu.memory_space<hbm>>
    %dma_start3A_88 = arith.constant 0 : i32
    %dma_start3A_89 = arith.constant 0 : i32
    %dma_start3A_90 = tpu.memref_slice %arg7[%dma_start3A_88, %dma_start3A_89] : memref<252x80xi32, #tpu.memory_space<vmem>> -> memref<250x80xi32, #tpu.memory_space<vmem>>
    %dma_start3A_91 = arith.constant 0 : i32
    %dma_start3A_92 = arith.constant 0 : i32
    %dma_start3A_93 = tpu.memref_slice %arg4[%dma_start3A, %arg1, %dma_start3A_91, %dma_start3A_92] : memref<2x16x250x80xi32, #tpu.memory_space<hbm>> -> memref<1x1x250x80xi32, #tpu.memory_space<hbm>>
    %dma_start3A_94 = tpu.memref_squeeze %dma_start3A_93 : memref<1x1x250x80xi32, #tpu.memory_space<hbm>> -> memref<250x80xi32, #tpu.memory_space<hbm>>
    tpu.enqueue_dma source(%dma_start3A_94 : memref<250x80xi32, #tpu.memory_space<hbm>>) target(%dma_start3A_90 : memref<250x80xi32, #tpu.memory_space<vmem>>) target_semaphore(%arg17 : memref<!tpu.dma_semaphore, #tpu.memory_space<semaphore_mem>>)
    %dma_start3A_95 = arith.constant 1 : i32
    %dma_start3A_96 = arith.constant 0 : i32
    %dma_start3A_97 = arith.constant 0 : i32
    %dma_start3A_98 = tpu.memref_slice %arg4[%dma_start3A_95, %arg1, %dma_start3A_96, %dma_start3A_97] : memref<2x16x250x80xi32, #tpu.memory_space<hbm>> -> memref<1x1x250x80xi32, #tpu.memory_space<hbm>>
    %dma_start3A_99 = tpu.memref_squeeze %dma_start3A_98 : memref<1x1x250x80xi32, #tpu.memory_space<hbm>> -> memref<250x80xi32, #tpu.memory_space<hbm>>
    %dma_start3A_100 = arith.constant 0 : i32
    %dma_start3A_101 = arith.constant 0 : i32
    %dma_start3A_102 = tpu.memref_slice %arg4[%dma_start3A_95, %arg1, %dma_start3A_100, %dma_start3A_101] : memref<2x16x250x80xi32, #tpu.memory_space<hbm>> -> memref<1x1x250x80xi32, #tpu.memory_space<hbm>>
    %dma_start3A_103 = tpu.memref_squeeze %dma_start3A_102 : memref<1x1x250x80xi32, #tpu.memory_space<hbm>> -> memref<250x80xi32, #tpu.memory_space<hbm>>
    tpu.enqueue_dma source(%dma_start3A_103 : memref<250x80xi32, #tpu.memory_space<hbm>>) target(%arg8 : memref<250x80xi32, #tpu.memory_space<vmem>>) target_semaphore(%arg18 : memref<!tpu.dma_semaphore, #tpu.memory_space<semaphore_mem>>)
    %mul3A = arith.constant 640 : i32
    %mul3A_104 = arith.muli %arg1, %mul3A : i32
    %add3A = arith.constant 0 : i32
    %add3A_105 = arith.addi %mul3A_104, %add3A : i32
    %dma_start3A_106 = arith.constant 0 : i32
    %dma_start3A_107 = tpu.memref_slice %arg13[%add3A_105, %dma_start3A_106] : memref<10240x64xf32, #tpu.memory_space<vmem_shared>> -> memref<80x64xf32, #tpu.memory_space<vmem_shared>>
    %dma_start3A_108 = arith.constant 0 : i32
    %dma_start3A_109 = tpu.memref_slice %arg13[%add3A_105, %dma_start3A_108] : memref<10240x64xf32, #tpu.memory_space<vmem_shared>> -> memref<80x64xf32, #tpu.memory_space<vmem_shared>>
    tpu.enqueue_dma source(%arg9 : memref<80x64xf32, #tpu.memory_space<vmem>>) target(%dma_start3A_109 : memref<80x64xf32, #tpu.memory_space<vmem_shared>>) target_semaphore(%arg15 : memref<!tpu.dma_semaphore, #tpu.memory_space<semaphore_mem>>)
    %dma_start3A_110 = arith.constant 0 : i32
    %dma_start3A_111 = tpu.memref_slice %arg14[%add3A_105, %dma_start3A_110] : memref<10240x16xf32, #tpu.memory_space<vmem_shared>> -> memref<80x16xf32, #tpu.memory_space<vmem_shared>>
    %dma_start3A_112 = arith.constant 0 : i32
    %dma_start3A_113 = tpu.memref_slice %arg14[%add3A_105, %dma_start3A_112] : memref<10240x16xf32, #tpu.memory_space<vmem_shared>> -> memref<80x16xf32, #tpu.memory_space<vmem_shared>>
    tpu.enqueue_dma source(%arg12 : memref<80x16xf32, #tpu.memory_space<vmem>>) target(%dma_start3A_113 : memref<80x16xf32, #tpu.memory_space<vmem_shared>>) target_semaphore(%arg16 : memref<!tpu.dma_semaphore, #tpu.memory_space<semaphore_mem>>)
    %mul3A_114 = arith.constant 640 : i32
    %mul3A_115 = arith.muli %arg1, %mul3A_114 : i32
    %add3A_116 = arith.constant 80 : i32
    %add3A_117 = arith.addi %mul3A_115, %add3A_116 : i32
    %dma_start3A_118 = arith.constant 0 : i32
    %dma_start3A_119 = tpu.memref_slice %arg13[%add3A_117, %dma_start3A_118] : memref<10240x64xf32, #tpu.memory_space<vmem_shared>> -> memref<80x64xf32, #tpu.memory_space<vmem_shared>>
    %dma_start3A_120 = arith.constant 0 : i32
    %dma_start3A_121 = tpu.memref_slice %arg13[%add3A_117, %dma_start3A_120] : memref<10240x64xf32, #tpu.memory_space<vmem_shared>> -> memref<80x64xf32, #tpu.memory_space<vmem_shared>>
    tpu.enqueue_dma source(%arg9 : memref<80x64xf32, #tpu.memory_space<vmem>>) target(%dma_start3A_121 : memref<80x64xf32, #tpu.memory_space<vmem_shared>>) target_semaphore(%arg15 : memref<!tpu.dma_semaphore, #tpu.memory_space<semaphore_mem>>)
    %dma_start3A_122 = arith.constant 0 : i32
    %dma_start3A_123 = tpu.memref_slice %arg14[%add3A_117, %dma_start3A_122] : memref<10240x16xf32, #tpu.memory_space<vmem_shared>> -> memref<80x16xf32, #tpu.memory_space<vmem_shared>>
    %dma_start3A_124 = arith.constant 0 : i32
    %dma_start3A_125 = tpu.memref_slice %arg14[%add3A_117, %dma_start3A_124] : memref<10240x16xf32, #tpu.memory_space<vmem_shared>> -> memref<80x16xf32, #tpu.memory_space<vmem_shared>>
    tpu.enqueue_dma source(%arg12 : memref<80x16xf32, #tpu.memory_space<vmem>>) target(%dma_start3A_125 : memref<80x16xf32, #tpu.memory_space<vmem_shared>>) target_semaphore(%arg16 : memref<!tpu.dma_semaphore, #tpu.memory_space<semaphore_mem>>)
    %mul3A_126 = arith.constant 640 : i32
    %mul3A_127 = arith.muli %arg1, %mul3A_126 : i32
    %add3A_128 = arith.constant 160 : i32
    %add3A_129 = arith.addi %mul3A_127, %add3A_128 : i32
    %dma_start3A_130 = arith.constant 0 : i32
    %dma_start3A_131 = tpu.memref_slice %arg13[%add3A_129, %dma_start3A_130] : memref<10240x64xf32, #tpu.memory_space<vmem_shared>> -> memref<80x64xf32, #tpu.memory_space<vmem_shared>>
    %dma_start3A_132 = arith.constant 0 : i32
    %dma_start3A_133 = tpu.memref_slice %arg13[%add3A_129, %dma_start3A_132] : memref<10240x64xf32, #tpu.memory_space<vmem_shared>> -> memref<80x64xf32, #tpu.memory_space<vmem_shared>>
    tpu.enqueue_dma source(%arg9 : memref<80x64xf32, #tpu.memory_space<vmem>>) target(%dma_start3A_133 : memref<80x64xf32, #tpu.memory_space<vmem_shared>>) target_semaphore(%arg15 : memref<!tpu.dma_semaphore, #tpu.memory_space<semaphore_mem>>)
    %dma_start3A_134 = arith.constant 0 : i32
    %dma_start3A_135 = tpu.memref_slice %arg14[%add3A_129, %dma_start3A_134] : memref<10240x16xf32, #tpu.memory_space<vmem_shared>> -> memref<80x16xf32, #tpu.memory_space<vmem_shared>>
    %dma_start3A_136 = arith.constant 0 : i32
    %dma_start3A_137 = tpu.memref_slice %arg14[%add3A_129, %dma_start3A_136] : memref<10240x16xf32, #tpu.memory_space<vmem_shared>> -> memref<80x16xf32, #tpu.memory_space<vmem_shared>>
    tpu.enqueue_dma source(%arg12 : memref<80x16xf32, #tpu.memory_space<vmem>>) target(%dma_start3A_137 : memref<80x16xf32, #tpu.memory_space<vmem_shared>>) target_semaphore(%arg16 : memref<!tpu.dma_semaphore, #tpu.memory_space<semaphore_mem>>)
    %mul3A_138 = arith.constant 640 : i32
    %mul3A_139 = arith.muli %arg1, %mul3A_138 : i32
    %add3A_140 = arith.constant 240 : i32
    %add3A_141 = arith.addi %mul3A_139, %add3A_140 : i32
    %dma_start3A_142 = arith.constant 0 : i32
    %dma_start3A_143 = tpu.memref_slice %arg13[%add3A_141, %dma_start3A_142] : memref<10240x64xf32, #tpu.memory_space<vmem_shared>> -> memref<80x64xf32, #tpu.memory_space<vmem_shared>>
    %dma_start3A_144 = arith.constant 0 : i32
    %dma_start3A_145 = tpu.memref_slice %arg13[%add3A_141, %dma_start3A_144] : memref<10240x64xf32, #tpu.memory_space<vmem_shared>> -> memref<80x64xf32, #tpu.memory_space<vmem_shared>>
    tpu.enqueue_dma source(%arg9 : memref<80x64xf32, #tpu.memory_space<vmem>>) target(%dma_start3A_145 : memref<80x64xf32, #tpu.memory_space<vmem_shared>>) target_semaphore(%arg15 : memref<!tpu.dma_semaphore, #tpu.memory_space<semaphore_mem>>)
    %dma_start3A_146 = arith.constant 0 : i32
    %dma_start3A_147 = tpu.memref_slice %arg14[%add3A_141, %dma_start3A_146] : memref<10240x16xf32, #tpu.memory_space<vmem_shared>> -> memref<80x16xf32, #tpu.memory_space<vmem_shared>>
    %dma_start3A_148 = arith.constant 0 : i32
    %dma_start3A_149 = tpu.memref_slice %arg14[%add3A_141, %dma_start3A_148] : memref<10240x16xf32, #tpu.memory_space<vmem_shared>> -> memref<80x16xf32, #tpu.memory_space<vmem_shared>>
    tpu.enqueue_dma source(%arg12 : memref<80x16xf32, #tpu.memory_space<vmem>>) target(%dma_start3A_149 : memref<80x16xf32, #tpu.memory_space<vmem_shared>>) target_semaphore(%arg16 : memref<!tpu.dma_semaphore, #tpu.memory_space<semaphore_mem>>)
    %mul3A_150 = arith.constant 640 : i32
    %mul3A_151 = arith.muli %arg1, %mul3A_150 : i32
    %add3A_152 = arith.constant 320 : i32
    %add3A_153 = arith.addi %mul3A_151, %add3A_152 : i32
    %dma_start3A_154 = arith.constant 0 : i32
    %dma_start3A_155 = tpu.memref_slice %arg13[%add3A_153, %dma_start3A_154] : memref<10240x64xf32, #tpu.memory_space<vmem_shared>> -> memref<80x64xf32, #tpu.memory_space<vmem_shared>>
    %dma_start3A_156 = arith.constant 0 : i32
    %dma_start3A_157 = tpu.memref_slice %arg13[%add3A_153, %dma_start3A_156] : memref<10240x64xf32, #tpu.memory_space<vmem_shared>> -> memref<80x64xf32, #tpu.memory_space<vmem_shared>>
    tpu.enqueue_dma source(%arg9 : memref<80x64xf32, #tpu.memory_space<vmem>>) target(%dma_start3A_157 : memref<80x64xf32, #tpu.memory_space<vmem_shared>>) target_semaphore(%arg15 : memref<!tpu.dma_semaphore, #tpu.memory_space<semaphore_mem>>)
    %dma_start3A_158 = arith.constant 0 : i32
    %dma_start3A_159 = tpu.memref_slice %arg14[%add3A_153, %dma_start3A_158] : memref<10240x16xf32, #tpu.memory_space<vmem_shared>> -> memref<80x16xf32, #tpu.memory_space<vmem_shared>>
    %dma_start3A_160 = arith.constant 0 : i32
    %dma_start3A_161 = tpu.memref_slice %arg14[%add3A_153, %dma_start3A_160] : memref<10240x16xf32, #tpu.memory_space<vmem_shared>> -> memref<80x16xf32, #tpu.memory_space<vmem_shared>>
    tpu.enqueue_dma source(%arg12 : memref<80x16xf32, #tpu.memory_space<vmem>>) target(%dma_start3A_161 : memref<80x16xf32, #tpu.memory_space<vmem_shared>>) target_semaphore(%arg16 : memref<!tpu.dma_semaphore, #tpu.memory_space<semaphore_mem>>)
    %mul3A_162 = arith.constant 640 : i32
    %mul3A_163 = arith.muli %arg1, %mul3A_162 : i32
    %add3A_164 = arith.constant 400 : i32
    %add3A_165 = arith.addi %mul3A_163, %add3A_164 : i32
    %dma_start3A_166 = arith.constant 0 : i32
    %dma_start3A_167 = tpu.memref_slice %arg13[%add3A_165, %dma_start3A_166] : memref<10240x64xf32, #tpu.memory_space<vmem_shared>> -> memref<80x64xf32, #tpu.memory_space<vmem_shared>>
    %dma_start3A_168 = arith.constant 0 : i32
    %dma_start3A_169 = tpu.memref_slice %arg13[%add3A_165, %dma_start3A_168] : memref<10240x64xf32, #tpu.memory_space<vmem_shared>> -> memref<80x64xf32, #tpu.memory_space<vmem_shared>>
    tpu.enqueue_dma source(%arg9 : memref<80x64xf32, #tpu.memory_space<vmem>>) target(%dma_start3A_169 : memref<80x64xf32, #tpu.memory_space<vmem_shared>>) target_semaphore(%arg15 : memref<!tpu.dma_semaphore, #tpu.memory_space<semaphore_mem>>)
    %dma_start3A_170 = arith.constant 0 : i32
    %dma_start3A_171 = tpu.memref_slice %arg14[%add3A_165, %dma_start3A_170] : memref<10240x16xf32, #tpu.memory_space<vmem_shared>> -> memref<80x16xf32, #tpu.memory_space<vmem_shared>>
    %dma_start3A_172 = arith.constant 0 : i32
    %dma_start3A_173 = tpu.memref_slice %arg14[%add3A_165, %dma_start3A_172] : memref<10240x16xf32, #tpu.memory_space<vmem_shared>> -> memref<80x16xf32, #tpu.memory_space<vmem_shared>>
    tpu.enqueue_dma source(%arg12 : memref<80x16xf32, #tpu.memory_space<vmem>>) target(%dma_start3A_173 : memref<80x16xf32, #tpu.memory_space<vmem_shared>>) target_semaphore(%arg16 : memref<!tpu.dma_semaphore, #tpu.memory_space<semaphore_mem>>)
    %mul3A_174 = arith.constant 640 : i32
    %mul3A_175 = arith.muli %arg1, %mul3A_174 : i32
    %add3A_176 = arith.constant 480 : i32
    %add3A_177 = arith.addi %mul3A_175, %add3A_176 : i32
    %dma_start3A_178 = arith.constant 0 : i32
    %dma_start3A_179 = tpu.memref_slice %arg13[%add3A_177, %dma_start3A_178] : memref<10240x64xf32, #tpu.memory_space<vmem_shared>> -> memref<80x64xf32, #tpu.memory_space<vmem_shared>>
    %dma_start3A_180 = arith.constant 0 : i32
    %dma_start3A_181 = tpu.memref_slice %arg13[%add3A_177, %dma_start3A_180] : memref<10240x64xf32, #tpu.memory_space<vmem_shared>> -> memref<80x64xf32, #tpu.memory_space<vmem_shared>>
    tpu.enqueue_dma source(%arg9 : memref<80x64xf32, #tpu.memory_space<vmem>>) target(%dma_start3A_181 : memref<80x64xf32, #tpu.memory_space<vmem_shared>>) target_semaphore(%arg15 : memref<!tpu.dma_semaphore, #tpu.memory_space<semaphore_mem>>)
    %dma_start3A_182 = arith.constant 0 : i32
    %dma_start3A_183 = tpu.memref_slice %arg14[%add3A_177, %dma_start3A_182] : memref<10240x16xf32, #tpu.memory_space<vmem_shared>> -> memref<80x16xf32, #tpu.memory_space<vmem_shared>>
    %dma_start3A_184 = arith.constant 0 : i32
    %dma_start3A_185 = tpu.memref_slice %arg14[%add3A_177, %dma_start3A_184] : memref<10240x16xf32, #tpu.memory_space<vmem_shared>> -> memref<80x16xf32, #tpu.memory_space<vmem_shared>>
    tpu.enqueue_dma source(%arg12 : memref<80x16xf32, #tpu.memory_space<vmem>>) target(%dma_start3A_185 : memref<80x16xf32, #tpu.memory_space<vmem_shared>>) target_semaphore(%arg16 : memref<!tpu.dma_semaphore, #tpu.memory_space<semaphore_mem>>)
    %mul3A_186 = arith.constant 640 : i32
    %mul3A_187 = arith.muli %arg1, %mul3A_186 : i32
    %add3A_188 = arith.constant 560 : i32
    %add3A_189 = arith.addi %mul3A_187, %add3A_188 : i32
    %dma_start3A_190 = arith.constant 0 : i32
    %dma_start3A_191 = tpu.memref_slice %arg13[%add3A_189, %dma_start3A_190] : memref<10240x64xf32, #tpu.memory_space<vmem_shared>> -> memref<80x64xf32, #tpu.memory_space<vmem_shared>>
    %dma_start3A_192 = arith.constant 0 : i32
    %dma_start3A_193 = tpu.memref_slice %arg13[%add3A_189, %dma_start3A_192] : memref<10240x64xf32, #tpu.memory_space<vmem_shared>> -> memref<80x64xf32, #tpu.memory_space<vmem_shared>>
    tpu.enqueue_dma source(%arg9 : memref<80x64xf32, #tpu.memory_space<vmem>>) target(%dma_start3A_193 : memref<80x64xf32, #tpu.memory_space<vmem_shared>>) target_semaphore(%arg15 : memref<!tpu.dma_semaphore, #tpu.memory_space<semaphore_mem>>)
    %dma_start3A_194 = arith.constant 0 : i32
    %dma_start3A_195 = tpu.memref_slice %arg14[%add3A_189, %dma_start3A_194] : memref<10240x16xf32, #tpu.memory_space<vmem_shared>> -> memref<80x16xf32, #tpu.memory_space<vmem_shared>>
    %dma_start3A_196 = arith.constant 0 : i32
    %dma_start3A_197 = tpu.memref_slice %arg14[%add3A_189, %dma_start3A_196] : memref<10240x16xf32, #tpu.memory_space<vmem_shared>> -> memref<80x16xf32, #tpu.memory_space<vmem_shared>>
    tpu.enqueue_dma source(%arg12 : memref<80x16xf32, #tpu.memory_space<vmem>>) target(%dma_start3A_197 : memref<80x16xf32, #tpu.memory_space<vmem_shared>>) target_semaphore(%arg16 : memref<!tpu.dma_semaphore, #tpu.memory_space<semaphore_mem>>)
    %dma_wait3A = arith.constant 0 : i32
    %dma_wait3A_198 = arith.constant 0 : i32
    %dma_wait3A_199 = arith.constant 0 : i32
    %dma_wait3A_200 = tpu.memref_slice %arg7[%dma_wait3A_198, %dma_wait3A_199] : memref<252x80xi32, #tpu.memory_space<vmem>> -> memref<250x80xi32, #tpu.memory_space<vmem>>
    %dma_wait3A_201 = arith.constant 0 : i32
    %dma_wait3A_202 = arith.constant 0 : i32
    %dma_wait3A_203 = tpu.memref_slice %arg4[%dma_wait3A, %arg1, %dma_wait3A_201, %dma_wait3A_202] : memref<2x16x250x80xi32, #tpu.memory_space<hbm>> -> memref<1x1x250x80xi32, #tpu.memory_space<hbm>>
    %dma_wait3A_204 = tpu.memref_squeeze %dma_wait3A_203 : memref<1x1x250x80xi32, #tpu.memory_space<hbm>> -> memref<250x80xi32, #tpu.memory_space<hbm>>
    %dma_wait3A_205 = arith.constant 0 : i32
    %dma_wait3A_206 = arith.constant 0 : i32
    %dma_wait3A_207 = tpu.memref_slice %arg7[%dma_wait3A_205, %dma_wait3A_206] : memref<252x80xi32, #tpu.memory_space<vmem>> -> memref<250x80xi32, #tpu.memory_space<vmem>>
    %dma_wait3A_208 = arith.constant 0 : i32
    %dma_wait3A_209 = arith.constant 0 : i32
    %dma_wait3A_210 = tpu.memref_slice %arg4[%dma_wait3A, %arg1, %dma_wait3A_208, %dma_wait3A_209] : memref<2x16x250x80xi32, #tpu.memory_space<hbm>> -> memref<1x1x250x80xi32, #tpu.memory_space<hbm>>
    %dma_wait3A_211 = tpu.memref_squeeze %dma_wait3A_210 : memref<1x1x250x80xi32, #tpu.memory_space<hbm>> -> memref<250x80xi32, #tpu.memory_space<hbm>>
    tpu.wait_dma2 semaphore(%arg17 : memref<!tpu.dma_semaphore, #tpu.memory_space<semaphore_mem>>) src(%dma_wait3A_211 : memref<250x80xi32, #tpu.memory_space<hbm>>) dst(%dma_wait3A_207 : memref<250x80xi32, #tpu.memory_space<vmem>>)
    %dma_wait3A_212 = arith.constant 1 : i32
    %dma_wait3A_213 = arith.constant 0 : i32
    %dma_wait3A_214 = arith.constant 0 : i32
    %dma_wait3A_215 = tpu.memref_slice %arg4[%dma_wait3A_212, %arg1, %dma_wait3A_213, %dma_wait3A_214] : memref<2x16x250x80xi32, #tpu.memory_space<hbm>> -> memref<1x1x250x80xi32, #tpu.memory_space<hbm>>
    %dma_wait3A_216 = tpu.memref_squeeze %dma_wait3A_215 : memref<1x1x250x80xi32, #tpu.memory_space<hbm>> -> memref<250x80xi32, #tpu.memory_space<hbm>>
    %dma_wait3A_217 = arith.constant 0 : i32
    %dma_wait3A_218 = arith.constant 0 : i32
    %dma_wait3A_219 = tpu.memref_slice %arg4[%dma_wait3A_212, %arg1, %dma_wait3A_217, %dma_wait3A_218] : memref<2x16x250x80xi32, #tpu.memory_space<hbm>> -> memref<1x1x250x80xi32, #tpu.memory_space<hbm>>
    %dma_wait3A_220 = tpu.memref_squeeze %dma_wait3A_219 : memref<1x1x250x80xi32, #tpu.memory_space<hbm>> -> memref<250x80xi32, #tpu.memory_space<hbm>>
    tpu.wait_dma2 semaphore(%arg18 : memref<!tpu.dma_semaphore, #tpu.memory_space<semaphore_mem>>) src(%dma_wait3A_220 : memref<250x80xi32, #tpu.memory_space<hbm>>) dst(%arg8 : memref<250x80xi32, #tpu.memory_space<vmem>>)
    %dma_wait3A_221 = arith.constant 0 : i32
    %dma_wait3A_222 = tpu.memref_slice %arg13[%add3A_105, %dma_wait3A_221] : memref<10240x64xf32, #tpu.memory_space<vmem_shared>> -> memref<80x64xf32, #tpu.memory_space<vmem_shared>>
    %dma_wait3A_223 = arith.constant 0 : i32
    %dma_wait3A_224 = tpu.memref_slice %arg13[%add3A_105, %dma_wait3A_223] : memref<10240x64xf32, #tpu.memory_space<vmem_shared>> -> memref<80x64xf32, #tpu.memory_space<vmem_shared>>
    tpu.wait_dma2 semaphore(%arg15 : memref<!tpu.dma_semaphore, #tpu.memory_space<semaphore_mem>>) src(%arg9 : memref<80x64xf32, #tpu.memory_space<vmem>>) dst(%dma_wait3A_224 : memref<80x64xf32, #tpu.memory_space<vmem_shared>>)
    %dma_wait3A_225 = arith.constant 0 : i32
    %dma_wait3A_226 = tpu.memref_slice %arg14[%add3A_105, %dma_wait3A_225] : memref<10240x16xf32, #tpu.memory_space<vmem_shared>> -> memref<80x16xf32, #tpu.memory_space<vmem_shared>>
    %dma_wait3A_227 = arith.constant 0 : i32
    %dma_wait3A_228 = tpu.memref_slice %arg14[%add3A_105, %dma_wait3A_227] : memref<10240x16xf32, #tpu.memory_space<vmem_shared>> -> memref<80x16xf32, #tpu.memory_space<vmem_shared>>
    tpu.wait_dma2 semaphore(%arg16 : memref<!tpu.dma_semaphore, #tpu.memory_space<semaphore_mem>>) src(%arg12 : memref<80x16xf32, #tpu.memory_space<vmem>>) dst(%dma_wait3A_228 : memref<80x16xf32, #tpu.memory_space<vmem_shared>>)
    %dma_wait3A_229 = arith.constant 0 : i32
    %dma_wait3A_230 = tpu.memref_slice %arg13[%add3A_117, %dma_wait3A_229] : memref<10240x64xf32, #tpu.memory_space<vmem_shared>> -> memref<80x64xf32, #tpu.memory_space<vmem_shared>>
    %dma_wait3A_231 = arith.constant 0 : i32
    %dma_wait3A_232 = tpu.memref_slice %arg13[%add3A_117, %dma_wait3A_231] : memref<10240x64xf32, #tpu.memory_space<vmem_shared>> -> memref<80x64xf32, #tpu.memory_space<vmem_shared>>
    tpu.wait_dma2 semaphore(%arg15 : memref<!tpu.dma_semaphore, #tpu.memory_space<semaphore_mem>>) src(%arg9 : memref<80x64xf32, #tpu.memory_space<vmem>>) dst(%dma_wait3A_232 : memref<80x64xf32, #tpu.memory_space<vmem_shared>>)
    %dma_wait3A_233 = arith.constant 0 : i32
    %dma_wait3A_234 = tpu.memref_slice %arg14[%add3A_117, %dma_wait3A_233] : memref<10240x16xf32, #tpu.memory_space<vmem_shared>> -> memref<80x16xf32, #tpu.memory_space<vmem_shared>>
    %dma_wait3A_235 = arith.constant 0 : i32
    %dma_wait3A_236 = tpu.memref_slice %arg14[%add3A_117, %dma_wait3A_235] : memref<10240x16xf32, #tpu.memory_space<vmem_shared>> -> memref<80x16xf32, #tpu.memory_space<vmem_shared>>
    tpu.wait_dma2 semaphore(%arg16 : memref<!tpu.dma_semaphore, #tpu.memory_space<semaphore_mem>>) src(%arg12 : memref<80x16xf32, #tpu.memory_space<vmem>>) dst(%dma_wait3A_236 : memref<80x16xf32, #tpu.memory_space<vmem_shared>>)
    %dma_wait3A_237 = arith.constant 0 : i32
    %dma_wait3A_238 = tpu.memref_slice %arg13[%add3A_129, %dma_wait3A_237] : memref<10240x64xf32, #tpu.memory_space<vmem_shared>> -> memref<80x64xf32, #tpu.memory_space<vmem_shared>>
    %dma_wait3A_239 = arith.constant 0 : i32
    %dma_wait3A_240 = tpu.memref_slice %arg13[%add3A_129, %dma_wait3A_239] : memref<10240x64xf32, #tpu.memory_space<vmem_shared>> -> memref<80x64xf32, #tpu.memory_space<vmem_shared>>
    tpu.wait_dma2 semaphore(%arg15 : memref<!tpu.dma_semaphore, #tpu.memory_space<semaphore_mem>>) src(%arg9 : memref<80x64xf32, #tpu.memory_space<vmem>>) dst(%dma_wait3A_240 : memref<80x64xf32, #tpu.memory_space<vmem_shared>>)
    %dma_wait3A_241 = arith.constant 0 : i32
    %dma_wait3A_242 = tpu.memref_slice %arg14[%add3A_129, %dma_wait3A_241] : memref<10240x16xf32, #tpu.memory_space<vmem_shared>> -> memref<80x16xf32, #tpu.memory_space<vmem_shared>>
    %dma_wait3A_243 = arith.constant 0 : i32
    %dma_wait3A_244 = tpu.memref_slice %arg14[%add3A_129, %dma_wait3A_243] : memref<10240x16xf32, #tpu.memory_space<vmem_shared>> -> memref<80x16xf32, #tpu.memory_space<vmem_shared>>
    tpu.wait_dma2 semaphore(%arg16 : memref<!tpu.dma_semaphore, #tpu.memory_space<semaphore_mem>>) src(%arg12 : memref<80x16xf32, #tpu.memory_space<vmem>>) dst(%dma_wait3A_244 : memref<80x16xf32, #tpu.memory_space<vmem_shared>>)
    %dma_wait3A_245 = arith.constant 0 : i32
    %dma_wait3A_246 = tpu.memref_slice %arg13[%add3A_141, %dma_wait3A_245] : memref<10240x64xf32, #tpu.memory_space<vmem_shared>> -> memref<80x64xf32, #tpu.memory_space<vmem_shared>>
    %dma_wait3A_247 = arith.constant 0 : i32
    %dma_wait3A_248 = tpu.memref_slice %arg13[%add3A_141, %dma_wait3A_247] : memref<10240x64xf32, #tpu.memory_space<vmem_shared>> -> memref<80x64xf32, #tpu.memory_space<vmem_shared>>
    tpu.wait_dma2 semaphore(%arg15 : memref<!tpu.dma_semaphore, #tpu.memory_space<semaphore_mem>>) src(%arg9 : memref<80x64xf32, #tpu.memory_space<vmem>>) dst(%dma_wait3A_248 : memref<80x64xf32, #tpu.memory_space<vmem_shared>>)
    %dma_wait3A_249 = arith.constant 0 : i32
    %dma_wait3A_250 = tpu.memref_slice %arg14[%add3A_141, %dma_wait3A_249] : memref<10240x16xf32, #tpu.memory_space<vmem_shared>> -> memref<80x16xf32, #tpu.memory_space<vmem_shared>>
    %dma_wait3A_251 = arith.constant 0 : i32
    %dma_wait3A_252 = tpu.memref_slice %arg14[%add3A_141, %dma_wait3A_251] : memref<10240x16xf32, #tpu.memory_space<vmem_shared>> -> memref<80x16xf32, #tpu.memory_space<vmem_shared>>
    tpu.wait_dma2 semaphore(%arg16 : memref<!tpu.dma_semaphore, #tpu.memory_space<semaphore_mem>>) src(%arg12 : memref<80x16xf32, #tpu.memory_space<vmem>>) dst(%dma_wait3A_252 : memref<80x16xf32, #tpu.memory_space<vmem_shared>>)
    %dma_wait3A_253 = arith.constant 0 : i32
    %dma_wait3A_254 = tpu.memref_slice %arg13[%add3A_153, %dma_wait3A_253] : memref<10240x64xf32, #tpu.memory_space<vmem_shared>> -> memref<80x64xf32, #tpu.memory_space<vmem_shared>>
    %dma_wait3A_255 = arith.constant 0 : i32
    %dma_wait3A_256 = tpu.memref_slice %arg13[%add3A_153, %dma_wait3A_255] : memref<10240x64xf32, #tpu.memory_space<vmem_shared>> -> memref<80x64xf32, #tpu.memory_space<vmem_shared>>
    tpu.wait_dma2 semaphore(%arg15 : memref<!tpu.dma_semaphore, #tpu.memory_space<semaphore_mem>>) src(%arg9 : memref<80x64xf32, #tpu.memory_space<vmem>>) dst(%dma_wait3A_256 : memref<80x64xf32, #tpu.memory_space<vmem_shared>>)
    %dma_wait3A_257 = arith.constant 0 : i32
    %dma_wait3A_258 = tpu.memref_slice %arg14[%add3A_153, %dma_wait3A_257] : memref<10240x16xf32, #tpu.memory_space<vmem_shared>> -> memref<80x16xf32, #tpu.memory_space<vmem_shared>>
    %dma_wait3A_259 = arith.constant 0 : i32
    %dma_wait3A_260 = tpu.memref_slice %arg14[%add3A_153, %dma_wait3A_259] : memref<10240x16xf32, #tpu.memory_space<vmem_shared>> -> memref<80x16xf32, #tpu.memory_space<vmem_shared>>
    tpu.wait_dma2 semaphore(%arg16 : memref<!tpu.dma_semaphore, #tpu.memory_space<semaphore_mem>>) src(%arg12 : memref<80x16xf32, #tpu.memory_space<vmem>>) dst(%dma_wait3A_260 : memref<80x16xf32, #tpu.memory_space<vmem_shared>>)
    %dma_wait3A_261 = arith.constant 0 : i32
    %dma_wait3A_262 = tpu.memref_slice %arg13[%add3A_165, %dma_wait3A_261] : memref<10240x64xf32, #tpu.memory_space<vmem_shared>> -> memref<80x64xf32, #tpu.memory_space<vmem_shared>>
    %dma_wait3A_263 = arith.constant 0 : i32
    %dma_wait3A_264 = tpu.memref_slice %arg13[%add3A_165, %dma_wait3A_263] : memref<10240x64xf32, #tpu.memory_space<vmem_shared>> -> memref<80x64xf32, #tpu.memory_space<vmem_shared>>
    tpu.wait_dma2 semaphore(%arg15 : memref<!tpu.dma_semaphore, #tpu.memory_space<semaphore_mem>>) src(%arg9 : memref<80x64xf32, #tpu.memory_space<vmem>>) dst(%dma_wait3A_264 : memref<80x64xf32, #tpu.memory_space<vmem_shared>>)
    %dma_wait3A_265 = arith.constant 0 : i32
    %dma_wait3A_266 = tpu.memref_slice %arg14[%add3A_165, %dma_wait3A_265] : memref<10240x16xf32, #tpu.memory_space<vmem_shared>> -> memref<80x16xf32, #tpu.memory_space<vmem_shared>>
    %dma_wait3A_267 = arith.constant 0 : i32
    %dma_wait3A_268 = tpu.memref_slice %arg14[%add3A_165, %dma_wait3A_267] : memref<10240x16xf32, #tpu.memory_space<vmem_shared>> -> memref<80x16xf32, #tpu.memory_space<vmem_shared>>
    tpu.wait_dma2 semaphore(%arg16 : memref<!tpu.dma_semaphore, #tpu.memory_space<semaphore_mem>>) src(%arg12 : memref<80x16xf32, #tpu.memory_space<vmem>>) dst(%dma_wait3A_268 : memref<80x16xf32, #tpu.memory_space<vmem_shared>>)
    %dma_wait3A_269 = arith.constant 0 : i32
    %dma_wait3A_270 = tpu.memref_slice %arg13[%add3A_177, %dma_wait3A_269] : memref<10240x64xf32, #tpu.memory_space<vmem_shared>> -> memref<80x64xf32, #tpu.memory_space<vmem_shared>>
    %dma_wait3A_271 = arith.constant 0 : i32
    %dma_wait3A_272 = tpu.memref_slice %arg13[%add3A_177, %dma_wait3A_271] : memref<10240x64xf32, #tpu.memory_space<vmem_shared>> -> memref<80x64xf32, #tpu.memory_space<vmem_shared>>
    tpu.wait_dma2 semaphore(%arg15 : memref<!tpu.dma_semaphore, #tpu.memory_space<semaphore_mem>>) src(%arg9 : memref<80x64xf32, #tpu.memory_space<vmem>>) dst(%dma_wait3A_272 : memref<80x64xf32, #tpu.memory_space<vmem_shared>>)
    %dma_wait3A_273 = arith.constant 0 : i32
    %dma_wait3A_274 = tpu.memref_slice %arg14[%add3A_177, %dma_wait3A_273] : memref<10240x16xf32, #tpu.memory_space<vmem_shared>> -> memref<80x16xf32, #tpu.memory_space<vmem_shared>>
    %dma_wait3A_275 = arith.constant 0 : i32
    %dma_wait3A_276 = tpu.memref_slice %arg14[%add3A_177, %dma_wait3A_275] : memref<10240x16xf32, #tpu.memory_space<vmem_shared>> -> memref<80x16xf32, #tpu.memory_space<vmem_shared>>
    tpu.wait_dma2 semaphore(%arg16 : memref<!tpu.dma_semaphore, #tpu.memory_space<semaphore_mem>>) src(%arg12 : memref<80x16xf32, #tpu.memory_space<vmem>>) dst(%dma_wait3A_276 : memref<80x16xf32, #tpu.memory_space<vmem_shared>>)
    %dma_wait3A_277 = arith.constant 0 : i32
    %dma_wait3A_278 = tpu.memref_slice %arg13[%add3A_189, %dma_wait3A_277] : memref<10240x64xf32, #tpu.memory_space<vmem_shared>> -> memref<80x64xf32, #tpu.memory_space<vmem_shared>>
    %dma_wait3A_279 = arith.constant 0 : i32
    %dma_wait3A_280 = tpu.memref_slice %arg13[%add3A_189, %dma_wait3A_279] : memref<10240x64xf32, #tpu.memory_space<vmem_shared>> -> memref<80x64xf32, #tpu.memory_space<vmem_shared>>
    tpu.wait_dma2 semaphore(%arg15 : memref<!tpu.dma_semaphore, #tpu.memory_space<semaphore_mem>>) src(%arg9 : memref<80x64xf32, #tpu.memory_space<vmem>>) dst(%dma_wait3A_280 : memref<80x64xf32, #tpu.memory_space<vmem_shared>>)
    %dma_wait3A_281 = arith.constant 0 : i32
    %dma_wait3A_282 = tpu.memref_slice %arg14[%add3A_189, %dma_wait3A_281] : memref<10240x16xf32, #tpu.memory_space<vmem_shared>> -> memref<80x16xf32, #tpu.memory_space<vmem_shared>>
    %dma_wait3A_283 = arith.constant 0 : i32
    %dma_wait3A_284 = tpu.memref_slice %arg14[%add3A_189, %dma_wait3A_283] : memref<10240x16xf32, #tpu.memory_space<vmem_shared>> -> memref<80x16xf32, #tpu.memory_space<vmem_shared>>
    tpu.wait_dma2 semaphore(%arg16 : memref<!tpu.dma_semaphore, #tpu.memory_space<semaphore_mem>>) src(%arg12 : memref<80x16xf32, #tpu.memory_space<vmem>>) dst(%dma_wait3A_284 : memref<80x16xf32, #tpu.memory_space<vmem_shared>>)
    %barrier3A = arith.constant 0 : index
    tpu.barrier barrier_id(%barrier3A)
    %eq3A = arith.constant 0 : i32
    %eq3A_285 = arith.cmpi eq, %arg0, %eq3A : i32
    %convert_element_type3A = arith.extui %eq3A_285 : i1 to i32
    %cond3A = arith.constant 0 : i32
    %cond3A_286 = arith.cmpi ne, %convert_element_type3A, %cond3A : i32
    scf.if %cond3A_286 {
      %dma_start3A_321 = arith.constant 0 : i32
      %dma_start3A_322 = arith.constant 0 : i32
      %dma_start3A_323 = tpu.memref_slice %arg7[%dma_start3A_321, %dma_start3A_322] : memref<252x80xi32, #tpu.memory_space<vmem>> -> memref<1x80xi32, #tpu.memory_space<vmem>>
      %dma_start3A_324 = tpu.memref_squeeze %dma_start3A_323 : memref<1x80xi32, #tpu.memory_space<vmem>> -> memref<80xi32, #tpu.memory_space<vmem>>
      %dma_start3A_325 = arith.constant 0 : i32
      %dma_start3A_326 = arith.constant 0 : i32
      %dma_start3A_327 = tpu.memref_slice %arg2[%dma_start3A_325, %dma_start3A_326] : memref<10000x64xf32, #tpu.memory_space<hbm>> -> memref<10000x64xf32, #tpu.memory_space<hbm>>
      tpu.enqueue_indirect_dma source(%dma_start3A_327 : memref<10000x64xf32, #tpu.memory_space<hbm>>) target(%arg9 : memref<80x64xf32, #tpu.memory_space<vmem>>) offsets(%dma_start3A_324 : memref<80xi32, #tpu.memory_space<vmem>>) semaphore(%arg15 : memref<!tpu.dma_semaphore, #tpu.memory_space<semaphore_mem>>)
      %scan3A_328 = arith.constant 0 : i32
      %scan3A_329 = arith.constant 0 : i32
      %scan3A_330 = arith.constant 125 : i32
      %scan3A_331 = arith.addi %scan3A_329, %scan3A_330 : i32
      %scan3A_332 = arith.constant 1 : i32
      scf.for %scan3A_341 = %scan3A_329 to %scan3A_331 step %scan3A_332  : i32 {
        %mul3A_342 = arith.constant 2 : i32
        %mul3A_343 = arith.muli %mul3A_342, %scan3A_341 : i32
        %add3A_344 = arith.constant 1 : i32
        %add3A_345 = arith.addi %mul3A_343, %add3A_344 : i32
        %dma_start3A_346 = arith.constant 0 : i32
        %dma_start3A_347 = tpu.memref_slice %arg7[%add3A_345, %dma_start3A_346] : memref<252x80xi32, #tpu.memory_space<vmem>> -> memref<1x80xi32, #tpu.memory_space<vmem>>
        %dma_start3A_348 = tpu.memref_squeeze %dma_start3A_347 : memref<1x80xi32, #tpu.memory_space<vmem>> -> memref<80xi32, #tpu.memory_space<vmem>>
        %dma_start3A_349 = arith.constant 0 : i32
        %dma_start3A_350 = arith.constant 0 : i32
        %dma_start3A_351 = tpu.memref_slice %arg2[%dma_start3A_349, %dma_start3A_350] : memref<10000x64xf32, #tpu.memory_space<hbm>> -> memref<10000x64xf32, #tpu.memory_space<hbm>>
        tpu.enqueue_indirect_dma source(%dma_start3A_351 : memref<10000x64xf32, #tpu.memory_space<hbm>>) target(%arg10 : memref<80x64xf32, #tpu.memory_space<vmem>>) offsets(%dma_start3A_348 : memref<80xi32, #tpu.memory_space<vmem>>) semaphore(%arg16 : memref<!tpu.dma_semaphore, #tpu.memory_space<semaphore_mem>>)
        %dma_wait3A_352 = arith.constant 0 : i32
        %dma_wait3A_353 = tpu.memref_slice %arg7[%mul3A_343, %dma_wait3A_352] : memref<252x80xi32, #tpu.memory_space<vmem>> -> memref<1x80xi32, #tpu.memory_space<vmem>>
        %dma_wait3A_354 = tpu.memref_squeeze %dma_wait3A_353 : memref<1x80xi32, #tpu.memory_space<vmem>> -> memref<80xi32, #tpu.memory_space<vmem>>
        %dma_wait3A_355 = arith.constant 0 : i32
        %dma_wait3A_356 = arith.constant 0 : i32
        %dma_wait3A_357 = tpu.memref_slice %arg2[%dma_wait3A_355, %dma_wait3A_356] : memref<10000x64xf32, #tpu.memory_space<hbm>> -> memref<10000x64xf32, #tpu.memory_space<hbm>>
        tpu.wait_indirect_dma semaphore(%arg15 : memref<!tpu.dma_semaphore, #tpu.memory_space<semaphore_mem>>) src(%dma_wait3A_357 : memref<10000x64xf32, #tpu.memory_space<hbm>>) dst(%arg9 : memref<80x64xf32, #tpu.memory_space<vmem>>)
        "tpu.region"() ({
          %run_scoped3A = tpu.sem_alloc : memref<!tpu.dma_semaphore, #tpu.memory_space<semaphore_mem>>
          %dma_start3A_374 = arith.constant 0 : i32
          %dma_start3A_375 = tpu.memref_slice %arg8[%mul3A_343, %dma_start3A_374] : memref<250x80xi32, #tpu.memory_space<vmem>> -> memref<1x80xi32, #tpu.memory_space<vmem>>
          %dma_start3A_376 = tpu.memref_squeeze %dma_start3A_375 : memref<1x80xi32, #tpu.memory_space<vmem>> -> memref<80xi32, #tpu.memory_space<vmem>>
          %dma_start3A_377 = arith.constant 0 : i32
          %dma_start3A_378 = arith.constant 0 : i32
          %dma_start3A_379 = tpu.memref_slice %arg13[%dma_start3A_377, %dma_start3A_378] : memref<10240x64xf32, #tpu.memory_space<vmem_shared>> -> memref<10240x64xf32, #tpu.memory_space<vmem_shared>>
          tpu.enqueue_indirect_dma source(%arg9 : memref<80x64xf32, #tpu.memory_space<vmem>>) target(%dma_start3A_379 : memref<10240x64xf32, #tpu.memory_space<vmem_shared>>) offsets(%dma_start3A_376 : memref<80xi32, #tpu.memory_space<vmem>>) semaphore(%run_scoped3A : memref<!tpu.dma_semaphore, #tpu.memory_space<semaphore_mem>>) {add = true}
          %dma_wait3A_380 = arith.constant 0 : i32
          %dma_wait3A_381 = tpu.memref_slice %arg8[%mul3A_343, %dma_wait3A_380] : memref<250x80xi32, #tpu.memory_space<vmem>> -> memref<1x80xi32, #tpu.memory_space<vmem>>
          %dma_wait3A_382 = tpu.memref_squeeze %dma_wait3A_381 : memref<1x80xi32, #tpu.memory_space<vmem>> -> memref<80xi32, #tpu.memory_space<vmem>>
          %dma_wait3A_383 = arith.constant 0 : i32
          %dma_wait3A_384 = arith.constant 0 : i32
          %dma_wait3A_385 = tpu.memref_slice %arg13[%dma_wait3A_383, %dma_wait3A_384] : memref<10240x64xf32, #tpu.memory_space<vmem_shared>> -> memref<10240x64xf32, #tpu.memory_space<vmem_shared>>
          tpu.wait_indirect_dma semaphore(%run_scoped3A : memref<!tpu.dma_semaphore, #tpu.memory_space<semaphore_mem>>) src(%arg9 : memref<80x64xf32, #tpu.memory_space<vmem>>) dst(%dma_wait3A_385 : memref<10240x64xf32, #tpu.memory_space<vmem_shared>>)
          tpu.yield
        }) : () -> ()
        "tpu.region"() ({
          %run_scoped3A = tpu.sem_alloc : memref<!tpu.dma_semaphore, #tpu.memory_space<semaphore_mem>>
          %dma_start3A_374 = arith.constant 0 : i32
          %dma_start3A_375 = tpu.memref_slice %arg8[%mul3A_343, %dma_start3A_374] : memref<250x80xi32, #tpu.memory_space<vmem>> -> memref<1x80xi32, #tpu.memory_space<vmem>>
          %dma_start3A_376 = tpu.memref_squeeze %dma_start3A_375 : memref<1x80xi32, #tpu.memory_space<vmem>> -> memref<80xi32, #tpu.memory_space<vmem>>
          %dma_start3A_377 = arith.constant 0 : i32
          %dma_start3A_378 = arith.constant 0 : i32
          %dma_start3A_379 = tpu.memref_slice %arg14[%dma_start3A_377, %dma_start3A_378] : memref<10240x16xf32, #tpu.memory_space<vmem_shared>> -> memref<10240x16xf32, #tpu.memory_space<vmem_shared>>
          tpu.enqueue_indirect_dma source(%arg11 : memref<80x16xf32, #tpu.memory_space<vmem>>) target(%dma_start3A_379 : memref<10240x16xf32, #tpu.memory_space<vmem_shared>>) offsets(%dma_start3A_376 : memref<80xi32, #tpu.memory_space<vmem>>) semaphore(%run_scoped3A : memref<!tpu.dma_semaphore, #tpu.memory_space<semaphore_mem>>) {add = true}
          %dma_wait3A_380 = arith.constant 0 : i32
          %dma_wait3A_381 = tpu.memref_slice %arg8[%mul3A_343, %dma_wait3A_380] : memref<250x80xi32, #tpu.memory_space<vmem>> -> memref<1x80xi32, #tpu.memory_space<vmem>>
          %dma_wait3A_382 = tpu.memref_squeeze %dma_wait3A_381 : memref<1x80xi32, #tpu.memory_space<vmem>> -> memref<80xi32, #tpu.memory_space<vmem>>
          %dma_wait3A_383 = arith.constant 0 : i32
          %dma_wait3A_384 = arith.constant 0 : i32
          %dma_wait3A_385 = tpu.memref_slice %arg14[%dma_wait3A_383, %dma_wait3A_384] : memref<10240x16xf32, #tpu.memory_space<vmem_shared>> -> memref<10240x16xf32, #tpu.memory_space<vmem_shared>>
          tpu.wait_indirect_dma semaphore(%run_scoped3A : memref<!tpu.dma_semaphore, #tpu.memory_space<semaphore_mem>>) src(%arg11 : memref<80x16xf32, #tpu.memory_space<vmem>>) dst(%dma_wait3A_385 : memref<10240x16xf32, #tpu.memory_space<vmem_shared>>)
          tpu.yield
        }) : () -> ()
        %add3A_358 = arith.constant 2 : i32
        %add3A_359 = arith.addi %mul3A_343, %add3A_358 : i32
        %dma_start3A_360 = arith.constant 0 : i32
        %dma_start3A_361 = tpu.memref_slice %arg7[%add3A_359, %dma_start3A_360] : memref<252x80xi32, #tpu.memory_space<vmem>> -> memref<1x80xi32, #tpu.memory_space<vmem>>
        %dma_start3A_362 = tpu.memref_squeeze %dma_start3A_361 : memref<1x80xi32, #tpu.memory_space<vmem>> -> memref<80xi32, #tpu.memory_space<vmem>>
        %dma_start3A_363 = arith.constant 0 : i32
        %dma_start3A_364 = arith.constant 0 : i32
        %dma_start3A_365 = tpu.memref_slice %arg2[%dma_start3A_363, %dma_start3A_364] : memref<10000x64xf32, #tpu.memory_space<hbm>> -> memref<10000x64xf32, #tpu.memory_space<hbm>>
        tpu.enqueue_indirect_dma source(%dma_start3A_365 : memref<10000x64xf32, #tpu.memory_space<hbm>>) target(%arg9 : memref<80x64xf32, #tpu.memory_space<vmem>>) offsets(%dma_start3A_362 : memref<80xi32, #tpu.memory_space<vmem>>) semaphore(%arg15 : memref<!tpu.dma_semaphore, #tpu.memory_space<semaphore_mem>>)
        %dma_wait3A_366 = arith.constant 0 : i32
        %dma_wait3A_367 = tpu.memref_slice %arg7[%add3A_345, %dma_wait3A_366] : memref<252x80xi32, #tpu.memory_space<vmem>> -> memref<1x80xi32, #tpu.memory_space<vmem>>
        %dma_wait3A_368 = tpu.memref_squeeze %dma_wait3A_367 : memref<1x80xi32, #tpu.memory_space<vmem>> -> memref<80xi32, #tpu.memory_space<vmem>>
        %dma_wait3A_369 = arith.constant 0 : i32
        %dma_wait3A_370 = arith.constant 0 : i32
        %dma_wait3A_371 = tpu.memref_slice %arg2[%dma_wait3A_369, %dma_wait3A_370] : memref<10000x64xf32, #tpu.memory_space<hbm>> -> memref<10000x64xf32, #tpu.memory_space<hbm>>
        tpu.wait_indirect_dma semaphore(%arg16 : memref<!tpu.dma_semaphore, #tpu.memory_space<semaphore_mem>>) src(%dma_wait3A_371 : memref<10000x64xf32, #tpu.memory_space<hbm>>) dst(%arg10 : memref<80x64xf32, #tpu.memory_space<vmem>>)
        %add3A_372 = arith.constant 1 : i32
        %add3A_373 = arith.addi %mul3A_343, %add3A_372 : i32
        "tpu.region"() ({
          %run_scoped3A = tpu.sem_alloc : memref<!tpu.dma_semaphore, #tpu.memory_space<semaphore_mem>>
          %dma_start3A_374 = arith.constant 0 : i32
          %dma_start3A_375 = tpu.memref_slice %arg8[%add3A_373, %dma_start3A_374] : memref<250x80xi32, #tpu.memory_space<vmem>> -> memref<1x80xi32, #tpu.memory_space<vmem>>
          %dma_start3A_376 = tpu.memref_squeeze %dma_start3A_375 : memref<1x80xi32, #tpu.memory_space<vmem>> -> memref<80xi32, #tpu.memory_space<vmem>>
          %dma_start3A_377 = arith.constant 0 : i32
          %dma_start3A_378 = arith.constant 0 : i32
          %dma_start3A_379 = tpu.memref_slice %arg13[%dma_start3A_377, %dma_start3A_378] : memref<10240x64xf32, #tpu.memory_space<vmem_shared>> -> memref<10240x64xf32, #tpu.memory_space<vmem_shared>>
          tpu.enqueue_indirect_dma source(%arg10 : memref<80x64xf32, #tpu.memory_space<vmem>>) target(%dma_start3A_379 : memref<10240x64xf32, #tpu.memory_space<vmem_shared>>) offsets(%dma_start3A_376 : memref<80xi32, #tpu.memory_space<vmem>>) semaphore(%run_scoped3A : memref<!tpu.dma_semaphore, #tpu.memory_space<semaphore_mem>>) {add = true}
          %dma_wait3A_380 = arith.constant 0 : i32
          %dma_wait3A_381 = tpu.memref_slice %arg8[%add3A_373, %dma_wait3A_380] : memref<250x80xi32, #tpu.memory_space<vmem>> -> memref<1x80xi32, #tpu.memory_space<vmem>>
          %dma_wait3A_382 = tpu.memref_squeeze %dma_wait3A_381 : memref<1x80xi32, #tpu.memory_space<vmem>> -> memref<80xi32, #tpu.memory_space<vmem>>
          %dma_wait3A_383 = arith.constant 0 : i32
          %dma_wait3A_384 = arith.constant 0 : i32
          %dma_wait3A_385 = tpu.memref_slice %arg13[%dma_wait3A_383, %dma_wait3A_384] : memref<10240x64xf32, #tpu.memory_space<vmem_shared>> -> memref<10240x64xf32, #tpu.memory_space<vmem_shared>>
          tpu.wait_indirect_dma semaphore(%run_scoped3A : memref<!tpu.dma_semaphore, #tpu.memory_space<semaphore_mem>>) src(%arg10 : memref<80x64xf32, #tpu.memory_space<vmem>>) dst(%dma_wait3A_385 : memref<10240x64xf32, #tpu.memory_space<vmem_shared>>)
          tpu.yield
        }) : () -> ()
      }
      %scan3A_333 = arith.constant 125 : i32
      %dma_wait3A_334 = arith.constant 250 : i32
      %dma_wait3A_335 = arith.constant 0 : i32
      %dma_wait3A_336 = tpu.memref_slice %arg7[%dma_wait3A_334, %dma_wait3A_335] : memref<252x80xi32, #tpu.memory_space<vmem>> -> memref<1x80xi32, #tpu.memory_space<vmem>>
      %dma_wait3A_337 = tpu.memref_squeeze %dma_wait3A_336 : memref<1x80xi32, #tpu.memory_space<vmem>> -> memref<80xi32, #tpu.memory_space<vmem>>
      %dma_wait3A_338 = arith.constant 0 : i32
      %dma_wait3A_339 = arith.constant 0 : i32
      %dma_wait3A_340 = tpu.memref_slice %arg2[%dma_wait3A_338, %dma_wait3A_339] : memref<10000x64xf32, #tpu.memory_space<hbm>> -> memref<10000x64xf32, #tpu.memory_space<hbm>>
      tpu.wait_indirect_dma semaphore(%arg15 : memref<!tpu.dma_semaphore, #tpu.memory_space<semaphore_mem>>) src(%dma_wait3A_340 : memref<10000x64xf32, #tpu.memory_space<hbm>>) dst(%arg9 : memref<80x64xf32, #tpu.memory_space<vmem>>)
    } else {
    }
    %eq3A_287 = arith.constant 1 : i32
    %eq3A_288 = arith.cmpi eq, %arg0, %eq3A_287 : i32
    %convert_element_type3A_289 = arith.extui %eq3A_288 : i1 to i32
    %cond3A_290 = arith.constant 0 : i32
    %cond3A_291 = arith.cmpi ne, %convert_element_type3A_289, %cond3A_290 : i32
    scf.if %cond3A_291 {
      %dma_start3A_321 = arith.constant 0 : i32
      %dma_start3A_322 = arith.constant 0 : i32
      %dma_start3A_323 = tpu.memref_slice %arg7[%dma_start3A_321, %dma_start3A_322] : memref<252x80xi32, #tpu.memory_space<vmem>> -> memref<1x80xi32, #tpu.memory_space<vmem>>
      %dma_start3A_324 = tpu.memref_squeeze %dma_start3A_323 : memref<1x80xi32, #tpu.memory_space<vmem>> -> memref<80xi32, #tpu.memory_space<vmem>>
      %dma_start3A_325 = arith.constant 0 : i32
      %dma_start3A_326 = arith.constant 0 : i32
      %dma_start3A_327 = tpu.memref_slice %arg3[%dma_start3A_325, %dma_start3A_326] : memref<10000x64xf32, #tpu.memory_space<hbm>> -> memref<10000x64xf32, #tpu.memory_space<hbm>>
      tpu.enqueue_indirect_dma source(%dma_start3A_327 : memref<10000x64xf32, #tpu.memory_space<hbm>>) target(%arg9 : memref<80x64xf32, #tpu.memory_space<vmem>>) offsets(%dma_start3A_324 : memref<80xi32, #tpu.memory_space<vmem>>) semaphore(%arg15 : memref<!tpu.dma_semaphore, #tpu.memory_space<semaphore_mem>>)
      %scan3A_328 = arith.constant 0 : i32
      %scan3A_329 = arith.constant 0 : i32
      %scan3A_330 = arith.constant 125 : i32
      %scan3A_331 = arith.addi %scan3A_329, %scan3A_330 : i32
      %scan3A_332 = arith.constant 1 : i32
      scf.for %scan3A_341 = %scan3A_329 to %scan3A_331 step %scan3A_332  : i32 {
        %mul3A_342 = arith.constant 2 : i32
        %mul3A_343 = arith.muli %mul3A_342, %scan3A_341 : i32
        %add3A_344 = arith.constant 1 : i32
        %add3A_345 = arith.addi %mul3A_343, %add3A_344 : i32
        %dma_start3A_346 = arith.constant 0 : i32
        %dma_start3A_347 = tpu.memref_slice %arg7[%add3A_345, %dma_start3A_346] : memref<252x80xi32, #tpu.memory_space<vmem>> -> memref<1x80xi32, #tpu.memory_space<vmem>>
        %dma_start3A_348 = tpu.memref_squeeze %dma_start3A_347 : memref<1x80xi32, #tpu.memory_space<vmem>> -> memref<80xi32, #tpu.memory_space<vmem>>
        %dma_start3A_349 = arith.constant 0 : i32
        %dma_start3A_350 = arith.constant 0 : i32
        %dma_start3A_351 = tpu.memref_slice %arg3[%dma_start3A_349, %dma_start3A_350] : memref<10000x64xf32, #tpu.memory_space<hbm>> -> memref<10000x64xf32, #tpu.memory_space<hbm>>
        tpu.enqueue_indirect_dma source(%dma_start3A_351 : memref<10000x64xf32, #tpu.memory_space<hbm>>) target(%arg10 : memref<80x64xf32, #tpu.memory_space<vmem>>) offsets(%dma_start3A_348 : memref<80xi32, #tpu.memory_space<vmem>>) semaphore(%arg16 : memref<!tpu.dma_semaphore, #tpu.memory_space<semaphore_mem>>)
        %dma_wait3A_352 = arith.constant 0 : i32
        %dma_wait3A_353 = tpu.memref_slice %arg7[%mul3A_343, %dma_wait3A_352] : memref<252x80xi32, #tpu.memory_space<vmem>> -> memref<1x80xi32, #tpu.memory_space<vmem>>
        %dma_wait3A_354 = tpu.memref_squeeze %dma_wait3A_353 : memref<1x80xi32, #tpu.memory_space<vmem>> -> memref<80xi32, #tpu.memory_space<vmem>>
        %dma_wait3A_355 = arith.constant 0 : i32
        %dma_wait3A_356 = arith.constant 0 : i32
        %dma_wait3A_357 = tpu.memref_slice %arg3[%dma_wait3A_355, %dma_wait3A_356] : memref<10000x64xf32, #tpu.memory_space<hbm>> -> memref<10000x64xf32, #tpu.memory_space<hbm>>
        tpu.wait_indirect_dma semaphore(%arg15 : memref<!tpu.dma_semaphore, #tpu.memory_space<semaphore_mem>>) src(%dma_wait3A_357 : memref<10000x64xf32, #tpu.memory_space<hbm>>) dst(%arg9 : memref<80x64xf32, #tpu.memory_space<vmem>>)
        "tpu.region"() ({
          %run_scoped3A = tpu.sem_alloc : memref<!tpu.dma_semaphore, #tpu.memory_space<semaphore_mem>>
          %dma_start3A_376 = arith.constant 0 : i32
          %dma_start3A_377 = tpu.memref_slice %arg8[%mul3A_343, %dma_start3A_376] : memref<250x80xi32, #tpu.memory_space<vmem>> -> memref<1x80xi32, #tpu.memory_space<vmem>>
          %dma_start3A_378 = tpu.memref_squeeze %dma_start3A_377 : memref<1x80xi32, #tpu.memory_space<vmem>> -> memref<80xi32, #tpu.memory_space<vmem>>
          %dma_start3A_379 = arith.constant 0 : i32
          %dma_start3A_380 = arith.constant 0 : i32
          %dma_start3A_381 = tpu.memref_slice %arg13[%dma_start3A_379, %dma_start3A_380] : memref<10240x64xf32, #tpu.memory_space<vmem_shared>> -> memref<10240x64xf32, #tpu.memory_space<vmem_shared>>
          tpu.enqueue_indirect_dma source(%arg9 : memref<80x64xf32, #tpu.memory_space<vmem>>) target(%dma_start3A_381 : memref<10240x64xf32, #tpu.memory_space<vmem_shared>>) offsets(%dma_start3A_378 : memref<80xi32, #tpu.memory_space<vmem>>) semaphore(%run_scoped3A : memref<!tpu.dma_semaphore, #tpu.memory_space<semaphore_mem>>) {add = true}
          %dma_wait3A_382 = arith.constant 0 : i32
          %dma_wait3A_383 = tpu.memref_slice %arg8[%mul3A_343, %dma_wait3A_382] : memref<250x80xi32, #tpu.memory_space<vmem>> -> memref<1x80xi32, #tpu.memory_space<vmem>>
          %dma_wait3A_384 = tpu.memref_squeeze %dma_wait3A_383 : memref<1x80xi32, #tpu.memory_space<vmem>> -> memref<80xi32, #tpu.memory_space<vmem>>
          %dma_wait3A_385 = arith.constant 0 : i32
          %dma_wait3A_386 = arith.constant 0 : i32
          %dma_wait3A_387 = tpu.memref_slice %arg13[%dma_wait3A_385, %dma_wait3A_386] : memref<10240x64xf32, #tpu.memory_space<vmem_shared>> -> memref<10240x64xf32, #tpu.memory_space<vmem_shared>>
          tpu.wait_indirect_dma semaphore(%run_scoped3A : memref<!tpu.dma_semaphore, #tpu.memory_space<semaphore_mem>>) src(%arg9 : memref<80x64xf32, #tpu.memory_space<vmem>>) dst(%dma_wait3A_387 : memref<10240x64xf32, #tpu.memory_space<vmem_shared>>)
          tpu.yield
        }) : () -> ()
        %add3A_358 = arith.constant 2 : i32
        %add3A_359 = arith.addi %mul3A_343, %add3A_358 : i32
        %dma_start3A_360 = arith.constant 0 : i32
        %dma_start3A_361 = tpu.memref_slice %arg7[%add3A_359, %dma_start3A_360] : memref<252x80xi32, #tpu.memory_space<vmem>> -> memref<1x80xi32, #tpu.memory_space<vmem>>
        %dma_start3A_362 = tpu.memref_squeeze %dma_start3A_361 : memref<1x80xi32, #tpu.memory_space<vmem>> -> memref<80xi32, #tpu.memory_space<vmem>>
        %dma_start3A_363 = arith.constant 0 : i32
        %dma_start3A_364 = arith.constant 0 : i32
        %dma_start3A_365 = tpu.memref_slice %arg3[%dma_start3A_363, %dma_start3A_364] : memref<10000x64xf32, #tpu.memory_space<hbm>> -> memref<10000x64xf32, #tpu.memory_space<hbm>>
        tpu.enqueue_indirect_dma source(%dma_start3A_365 : memref<10000x64xf32, #tpu.memory_space<hbm>>) target(%arg9 : memref<80x64xf32, #tpu.memory_space<vmem>>) offsets(%dma_start3A_362 : memref<80xi32, #tpu.memory_space<vmem>>) semaphore(%arg15 : memref<!tpu.dma_semaphore, #tpu.memory_space<semaphore_mem>>)
        %dma_wait3A_366 = arith.constant 0 : i32
        %dma_wait3A_367 = tpu.memref_slice %arg7[%add3A_345, %dma_wait3A_366] : memref<252x80xi32, #tpu.memory_space<vmem>> -> memref<1x80xi32, #tpu.memory_space<vmem>>
        %dma_wait3A_368 = tpu.memref_squeeze %dma_wait3A_367 : memref<1x80xi32, #tpu.memory_space<vmem>> -> memref<80xi32, #tpu.memory_space<vmem>>
        %dma_wait3A_369 = arith.constant 0 : i32
        %dma_wait3A_370 = arith.constant 0 : i32
        %dma_wait3A_371 = tpu.memref_slice %arg3[%dma_wait3A_369, %dma_wait3A_370] : memref<10000x64xf32, #tpu.memory_space<hbm>> -> memref<10000x64xf32, #tpu.memory_space<hbm>>
        tpu.wait_indirect_dma semaphore(%arg16 : memref<!tpu.dma_semaphore, #tpu.memory_space<semaphore_mem>>) src(%dma_wait3A_371 : memref<10000x64xf32, #tpu.memory_space<hbm>>) dst(%arg10 : memref<80x64xf32, #tpu.memory_space<vmem>>)
        %add3A_372 = arith.constant 1 : i32
        %add3A_373 = arith.addi %mul3A_343, %add3A_372 : i32
        "tpu.region"() ({
          %run_scoped3A = tpu.sem_alloc : memref<!tpu.dma_semaphore, #tpu.memory_space<semaphore_mem>>
          %dma_start3A_376 = arith.constant 0 : i32
          %dma_start3A_377 = tpu.memref_slice %arg8[%add3A_373, %dma_start3A_376] : memref<250x80xi32, #tpu.memory_space<vmem>> -> memref<1x80xi32, #tpu.memory_space<vmem>>
          %dma_start3A_378 = tpu.memref_squeeze %dma_start3A_377 : memref<1x80xi32, #tpu.memory_space<vmem>> -> memref<80xi32, #tpu.memory_space<vmem>>
          %dma_start3A_379 = arith.constant 0 : i32
          %dma_start3A_380 = arith.constant 0 : i32
          %dma_start3A_381 = tpu.memref_slice %arg13[%dma_start3A_379, %dma_start3A_380] : memref<10240x64xf32, #tpu.memory_space<vmem_shared>> -> memref<10240x64xf32, #tpu.memory_space<vmem_shared>>
          tpu.enqueue_indirect_dma source(%arg10 : memref<80x64xf32, #tpu.memory_space<vmem>>) target(%dma_start3A_381 : memref<10240x64xf32, #tpu.memory_space<vmem_shared>>) offsets(%dma_start3A_378 : memref<80xi32, #tpu.memory_space<vmem>>) semaphore(%run_scoped3A : memref<!tpu.dma_semaphore, #tpu.memory_space<semaphore_mem>>) {add = true}
          %dma_wait3A_382 = arith.constant 0 : i32
          %dma_wait3A_383 = tpu.memref_slice %arg8[%add3A_373, %dma_wait3A_382] : memref<250x80xi32, #tpu.memory_space<vmem>> -> memref<1x80xi32, #tpu.memory_space<vmem>>
          %dma_wait3A_384 = tpu.memref_squeeze %dma_wait3A_383 : memref<1x80xi32, #tpu.memory_space<vmem>> -> memref<80xi32, #tpu.memory_space<vmem>>
          %dma_wait3A_385 = arith.constant 0 : i32
          %dma_wait3A_386 = arith.constant 0 : i32
          %dma_wait3A_387 = tpu.memref_slice %arg13[%dma_wait3A_385, %dma_wait3A_386] : memref<10240x64xf32, #tpu.memory_space<vmem_shared>> -> memref<10240x64xf32, #tpu.memory_space<vmem_shared>>
          tpu.wait_indirect_dma semaphore(%run_scoped3A : memref<!tpu.dma_semaphore, #tpu.memory_space<semaphore_mem>>) src(%arg10 : memref<80x64xf32, #tpu.memory_space<vmem>>) dst(%dma_wait3A_387 : memref<10240x64xf32, #tpu.memory_space<vmem_shared>>)
          tpu.yield
        }) : () -> ()
        %add3A_374 = arith.constant 1 : i32
        %add3A_375 = arith.addi %mul3A_343, %add3A_374 : i32
        "tpu.region"() ({
          %run_scoped3A = tpu.sem_alloc : memref<!tpu.dma_semaphore, #tpu.memory_space<semaphore_mem>>
          %dma_start3A_376 = arith.constant 0 : i32
          %dma_start3A_377 = tpu.memref_slice %arg8[%add3A_375, %dma_start3A_376] : memref<250x80xi32, #tpu.memory_space<vmem>> -> memref<1x80xi32, #tpu.memory_space<vmem>>
          %dma_start3A_378 = tpu.memref_squeeze %dma_start3A_377 : memref<1x80xi32, #tpu.memory_space<vmem>> -> memref<80xi32, #tpu.memory_space<vmem>>
          %dma_start3A_379 = arith.constant 0 : i32
          %dma_start3A_380 = arith.constant 0 : i32
          %dma_start3A_381 = tpu.memref_slice %arg14[%dma_start3A_379, %dma_start3A_380] : memref<10240x16xf32, #tpu.memory_space<vmem_shared>> -> memref<10240x16xf32, #tpu.memory_space<vmem_shared>>
          tpu.enqueue_indirect_dma source(%arg11 : memref<80x16xf32, #tpu.memory_space<vmem>>) target(%dma_start3A_381 : memref<10240x16xf32, #tpu.memory_space<vmem_shared>>) offsets(%dma_start3A_378 : memref<80xi32, #tpu.memory_space<vmem>>) semaphore(%run_scoped3A : memref<!tpu.dma_semaphore, #tpu.memory_space<semaphore_mem>>) {add = true}
          %dma_wait3A_382 = arith.constant 0 : i32
          %dma_wait3A_383 = tpu.memref_slice %arg8[%add3A_375, %dma_wait3A_382] : memref<250x80xi32, #tpu.memory_space<vmem>> -> memref<1x80xi32, #tpu.memory_space<vmem>>
          %dma_wait3A_384 = tpu.memref_squeeze %dma_wait3A_383 : memref<1x80xi32, #tpu.memory_space<vmem>> -> memref<80xi32, #tpu.memory_space<vmem>>
          %dma_wait3A_385 = arith.constant 0 : i32
          %dma_wait3A_386 = arith.constant 0 : i32
          %dma_wait3A_387 = tpu.memref_slice %arg14[%dma_wait3A_385, %dma_wait3A_386] : memref<10240x16xf32, #tpu.memory_space<vmem_shared>> -> memref<10240x16xf32, #tpu.memory_space<vmem_shared>>
          tpu.wait_indirect_dma semaphore(%run_scoped3A : memref<!tpu.dma_semaphore, #tpu.memory_space<semaphore_mem>>) src(%arg11 : memref<80x16xf32, #tpu.memory_space<vmem>>) dst(%dma_wait3A_387 : memref<10240x16xf32, #tpu.memory_space<vmem_shared>>)
          tpu.yield
        }) : () -> ()
      }
      %scan3A_333 = arith.constant 125 : i32
      %dma_wait3A_334 = arith.constant 250 : i32
      %dma_wait3A_335 = arith.constant 0 : i32
      %dma_wait3A_336 = tpu.memref_slice %arg7[%dma_wait3A_334, %dma_wait3A_335] : memref<252x80xi32, #tpu.memory_space<vmem>> -> memref<1x80xi32, #tpu.memory_space<vmem>>
      %dma_wait3A_337 = tpu.memref_squeeze %dma_wait3A_336 : memref<1x80xi32, #tpu.memory_space<vmem>> -> memref<80xi32, #tpu.memory_space<vmem>>
      %dma_wait3A_338 = arith.constant 0 : i32
      %dma_wait3A_339 = arith.constant 0 : i32
      %dma_wait3A_340 = tpu.memref_slice %arg3[%dma_wait3A_338, %dma_wait3A_339] : memref<10000x64xf32, #tpu.memory_space<hbm>> -> memref<10000x64xf32, #tpu.memory_space<hbm>>
      tpu.wait_indirect_dma semaphore(%arg15 : memref<!tpu.dma_semaphore, #tpu.memory_space<semaphore_mem>>) src(%dma_wait3A_340 : memref<10000x64xf32, #tpu.memory_space<hbm>>) dst(%arg9 : memref<80x64xf32, #tpu.memory_space<vmem>>)
    } else {
    }
    %barrier3A_292 = arith.constant 0 : index
    tpu.barrier barrier_id(%barrier3A_292)
    %mul3A_293 = arith.constant 640 : i32
    %mul3A_294 = arith.muli %arg1, %mul3A_293 : i32
    %mul3A_295 = arith.constant 640 : i32
    %mul3A_296 = arith.muli %arg1, %mul3A_295 : i32
    %dma_start3A_297 = arith.constant 0 : i32
    %dma_start3A_298 = tpu.memref_slice %arg5[%arg0, %mul3A_296, %dma_start3A_297] : memref<2x10240x64xf32, #tpu.memory_space<hbm>> -> memref<1x640x64xf32, #tpu.memory_space<hbm>>
    %dma_start3A_299 = tpu.memref_squeeze %dma_start3A_298 : memref<1x640x64xf32, #tpu.memory_space<hbm>> -> memref<640x64xf32, #tpu.memory_space<hbm>>
    %dma_start3A_300 = arith.constant 0 : i32
    %dma_start3A_301 = tpu.memref_slice %arg13[%mul3A_294, %dma_start3A_300] : memref<10240x64xf32, #tpu.memory_space<vmem_shared>> -> memref<640x64xf32, #tpu.memory_space<vmem_shared>>
    tpu.enqueue_dma source(%dma_start3A_301 : memref<640x64xf32, #tpu.memory_space<vmem_shared>>) target(%dma_start3A_299 : memref<640x64xf32, #tpu.memory_space<hbm>>) target_semaphore(%arg15 : memref<!tpu.dma_semaphore, #tpu.memory_space<semaphore_mem>>)
    %mul3A_302 = arith.constant 640 : i32
    %mul3A_303 = arith.muli %arg1, %mul3A_302 : i32
    %mul3A_304 = arith.constant 640 : i32
    %mul3A_305 = arith.muli %arg1, %mul3A_304 : i32
    %dma_start3A_306 = arith.constant 0 : i32
    %dma_start3A_307 = tpu.memref_slice %arg6[%arg0, %mul3A_305, %dma_start3A_306] : memref<2x10240x16xf32, #tpu.memory_space<hbm>> -> memref<1x640x16xf32, #tpu.memory_space<hbm>>
    %dma_start3A_308 = tpu.memref_squeeze %dma_start3A_307 : memref<1x640x16xf32, #tpu.memory_space<hbm>> -> memref<640x16xf32, #tpu.memory_space<hbm>>
    %dma_start3A_309 = arith.constant 0 : i32
    %dma_start3A_310 = tpu.memref_slice %arg14[%mul3A_303, %dma_start3A_309] : memref<10240x16xf32, #tpu.memory_space<vmem_shared>> -> memref<640x16xf32, #tpu.memory_space<vmem_shared>>
    tpu.enqueue_dma source(%dma_start3A_310 : memref<640x16xf32, #tpu.memory_space<vmem_shared>>) target(%dma_start3A_308 : memref<640x16xf32, #tpu.memory_space<hbm>>) target_semaphore(%arg16 : memref<!tpu.dma_semaphore, #tpu.memory_space<semaphore_mem>>)
    %dma_wait3A_311 = arith.constant 0 : i32
    %dma_wait3A_312 = tpu.memref_slice %arg5[%arg0, %mul3A_296, %dma_wait3A_311] : memref<2x10240x64xf32, #tpu.memory_space<hbm>> -> memref<1x640x64xf32, #tpu.memory_space<hbm>>
    %dma_wait3A_313 = tpu.memref_squeeze %dma_wait3A_312 : memref<1x640x64xf32, #tpu.memory_space<hbm>> -> memref<640x64xf32, #tpu.memory_space<hbm>>
    %dma_wait3A_314 = arith.constant 0 : i32
    %dma_wait3A_315 = tpu.memref_slice %arg13[%mul3A_294, %dma_wait3A_314] : memref<10240x64xf32, #tpu.memory_space<vmem_shared>> -> memref<640x64xf32, #tpu.memory_space<vmem_shared>>
    tpu.wait_dma2 semaphore(%arg15 : memref<!tpu.dma_semaphore, #tpu.memory_space<semaphore_mem>>) src(%dma_wait3A_315 : memref<640x64xf32, #tpu.memory_space<vmem_shared>>) dst(%dma_wait3A_313 : memref<640x64xf32, #tpu.memory_space<hbm>>)
    %dma_wait3A_316 = arith.constant 0 : i32
    %dma_wait3A_317 = tpu.memref_slice %arg6[%arg0, %mul3A_305, %dma_wait3A_316] : memref<2x10240x16xf32, #tpu.memory_space<hbm>> -> memref<1x640x16xf32, #tpu.memory_space<hbm>>
    %dma_wait3A_318 = tpu.memref_squeeze %dma_wait3A_317 : memref<1x640x16xf32, #tpu.memory_space<hbm>> -> memref<640x16xf32, #tpu.memory_space<hbm>>
    %dma_wait3A_319 = arith.constant 0 : i32
    %dma_wait3A_320 = tpu.memref_slice %arg14[%mul3A_303, %dma_wait3A_319] : memref<10240x16xf32, #tpu.memory_space<vmem_shared>> -> memref<640x16xf32, #tpu.memory_space<vmem_shared>>
    tpu.wait_dma2 semaphore(%arg16 : memref<!tpu.dma_semaphore, #tpu.memory_space<semaphore_mem>>) src(%dma_wait3A_320 : memref<640x16xf32, #tpu.memory_space<vmem_shared>>) dst(%dma_wait3A_318 : memref<640x16xf32, #tpu.memory_space<hbm>>)
    return
  }
}

module attributes {stable_mosaic.version = 14 : i64} {
  func.func @body(%arg0: i32, %arg1: memref<2000x128xf32, #tpu.memory_space<vmem>>, %arg2: memref<2000x64xf32, #tpu.memory_space<vmem>>, %arg3: memref<2000x64xf32, #tpu.memory_space<vmem>>) attributes {dimension_semantics = [#tpu.dimension_semantics<arbitrary>], iteration_bounds = array<i64: 5>, scalar_prefetch = 0 : i64, scratch_operands = 0 : i64, tpu.core_type = #tpu.core_type<tc>, window_params = [{transform_indices = @transform_0, window_bounds = array<i64: 2000, 128>}, {transform_indices = @transform_1, window_bounds = array<i64: 2000, 64>}, {transform_indices = @transform_2, window_bounds = array<i64: 2000, 64>}]} {
    %get3A = arith.constant 0 : index
    %get3A_0 = arith.constant 0 : index
    %get3A_1 = vector.load %arg1[%get3A, %get3A_0] : memref<2000x128xf32, #tpu.memory_space<vmem>>, vector<2000x64xf32>
    %swap3A = arith.constant 0 : index
    %swap3A_2 = arith.constant 0 : index
    %swap3A_3 = vector.load %arg2[%swap3A, %swap3A_2] : memref<2000x64xf32, #tpu.memory_space<vmem>>, vector<2000x64xf32>
    tpu.vector_store %arg2[%swap3A, %swap3A_2], %get3A_1 {strides = array<i32>} : memref<2000x64xf32, #tpu.memory_space<vmem>>, vector<2000x64xf32>,
    %get3A_4 = arith.constant 0 : index
    %get3A_5 = arith.constant 64 : index
    %get3A_6 = vector.load %arg1[%get3A_4, %get3A_5] : memref<2000x128xf32, #tpu.memory_space<vmem>>, vector<2000x64xf32>
    %swap3A_7 = arith.constant 0 : index
    %swap3A_8 = arith.constant 0 : index
    %swap3A_9 = vector.load %arg3[%swap3A_7, %swap3A_8] : memref<2000x64xf32, #tpu.memory_space<vmem>>, vector<2000x64xf32>
    tpu.vector_store %arg3[%swap3A_7, %swap3A_8], %get3A_6 {strides = array<i32>} : memref<2000x64xf32, #tpu.memory_space<vmem>>, vector<2000x64xf32>,
    return
  }
  func.func @transform_0(%arg0: i32) -> (i32, i32) {
    %c0_i32 = arith.constant 0 : i32
    %c0_i32_0 = arith.constant 0 : i32
    return %arg0, %c0_i32 : i32, i32
  }
  func.func @transform_1(%arg0: i32) -> (i32, i32) {
    %c0_i32 = arith.constant 0 : i32
    %c0_i32_0 = arith.constant 0 : i32
    return %arg0, %c0_i32 : i32, i32
  }
  func.func @transform_2(%arg0: i32) -> (i32, i32) {
    %c0_i32 = arith.constant 0 : i32
    %c0_i32_0 = arith.constant 0 : i32
    return %arg0, %c0_i32 : i32, i32
  }
}

module attributes {stable_mosaic.version = 14 : i64} {
  func.func @body(%arg0: i32, %arg1: memref<2x2000x64xf32, #tpu.memory_space<vmem>>, %arg2: memref<2x2000x16xf32, #tpu.memory_space<vmem>>, %arg3: memref<2000x128xf32, #tpu.memory_space<vmem>>, %arg4: memref<128x128xf32, #tpu.memory_space<vmem>>, %arg5: memref<128x128xf32, #tpu.memory_space<vmem>>, %arg6: memref<1x128xf32, #tpu.memory_space<vmem>>, %arg7: memref<2000x128xf32, #tpu.memory_space<vmem>>) attributes {dimension_semantics = [#tpu.dimension_semantics<arbitrary>], iteration_bounds = array<i64: 5>, scalar_prefetch = 0 : i64, scratch_operands = 0 : i64, tpu.core_type = #tpu.core_type<tc>, window_params = [{transform_indices = @transform_0, window_bounds = array<i64: 2, 2000, 64>}, {transform_indices = @transform_1, window_bounds = array<i64: 2, 2000, 16>}, {transform_indices = @transform_2, window_bounds = array<i64: 2000, 128>}, {pipeline_mode = #tpu.pipeline_mode<synchronous>, transform_indices = @transform_3, window_bounds = array<i64: 128, 128>}, {pipeline_mode = #tpu.pipeline_mode<synchronous>, transform_indices = @transform_4, window_bounds = array<i64: 128, 128>}, {pipeline_mode = #tpu.pipeline_mode<synchronous>, transform_indices = @transform_5, window_bounds = array<i64: 1, 128>}, {transform_indices = @transform_6, window_bounds = array<i64: 2000, 128>}]} {
    %get3A = arith.constant 0 : index
    %get3A_0 = arith.constant 0 : index
    %get3A_1 = arith.constant 0 : index
    %get3A_2 = vector.load %arg2[%get3A, %get3A_0, %get3A_1] : memref<2x2000x16xf32, #tpu.memory_space<vmem>>, vector<1x2000x1xf32>
    %get3A_3 = vector.shape_cast %get3A_2 : vector<1x2000x1xf32> to vector<2000x1xf32>
    %get3A_4 = arith.constant 1 : index
    %get3A_5 = arith.constant 0 : index
    %get3A_6 = arith.constant 0 : index
    %get3A_7 = vector.load %arg2[%get3A_4, %get3A_5, %get3A_6] : memref<2x2000x16xf32, #tpu.memory_space<vmem>>, vector<1x2000x1xf32>
    %get3A_8 = vector.shape_cast %get3A_7 : vector<1x2000x1xf32> to vector<2000x1xf32>
    %add3A = arith.addf %get3A_3, %get3A_8 : vector<2000x1xf32>
    %max3A = arith.constant 1.000000e+00 : f32
    %max3A_9 = vector.broadcast %max3A : f32 to vector<2000x1xf32>
    %max3A_10 = arith.maximumf %add3A, %max3A_9 : vector<2000x1xf32>
    %div3A = arith.constant 1.000000e+00 : f32
    %div3A_11 = vector.broadcast %div3A : f32 to vector<2000x1xf32>
    %div3A_12 = arith.divf %div3A_11, %max3A_10 : vector<2000x1xf32>
    %get3A_13 = arith.constant 0 : index
    %get3A_14 = arith.constant 0 : index
    %get3A_15 = arith.constant 0 : index
    %get3A_16 = vector.load %arg1[%get3A_13, %get3A_14, %get3A_15] : memref<2x2000x64xf32, #tpu.memory_space<vmem>>, vector<1x2000x64xf32>
    %get3A_17 = vector.shape_cast %get3A_16 : vector<1x2000x64xf32> to vector<2000x64xf32>
    %mul3A = vector.broadcast %div3A_12 : vector<2000x1xf32> to vector<2000x64xf32>
    %mul3A_18 = arith.mulf %get3A_17, %mul3A : vector<2000x64xf32>
    %get3A_19 = arith.constant 1 : index
    %get3A_20 = arith.constant 0 : index
    %get3A_21 = arith.constant 0 : index
    %get3A_22 = vector.load %arg1[%get3A_19, %get3A_20, %get3A_21] : memref<2x2000x64xf32, #tpu.memory_space<vmem>>, vector<1x2000x64xf32>
    %get3A_23 = vector.shape_cast %get3A_22 : vector<1x2000x64xf32> to vector<2000x64xf32>
    %mul3A_24 = vector.broadcast %div3A_12 : vector<2000x1xf32> to vector<2000x64xf32>
    %mul3A_25 = arith.mulf %get3A_23, %mul3A_24 : vector<2000x64xf32>
    %get3A_26 = arith.constant 0 : index
    %get3A_27 = arith.constant 0 : index
    %get3A_28 = vector.load %arg4[%get3A_26, %get3A_27] : memref<128x128xf32, #tpu.memory_space<vmem>>, vector<64x128xf32>
    %dot_general3A = arith.constant dense<0.000000e+00> : vector<2000x128xf32>
    %dot_general3A_29 = tpu.matmul %mul3A_18, %get3A_28, %dot_general3A {dimension_numbers = #tpu.dot_dimension_numbers<[1], [0], [0], [1], [0, 0, 1, 1], [], []>, transpose_lhs_hint = false} : vector<2000x64xf32>, vector<64x128xf32>, vector<2000x128xf32> -> vector<2000x128xf32>
    %get3A_30 = arith.constant 64 : index
    %get3A_31 = arith.constant 0 : index
    %get3A_32 = vector.load %arg4[%get3A_30, %get3A_31] : memref<128x128xf32, #tpu.memory_space<vmem>>, vector<64x128xf32>
    %dot_general3A_33 = arith.constant dense<0.000000e+00> : vector<2000x128xf32>
    %dot_general3A_34 = tpu.matmul %mul3A_25, %get3A_32, %dot_general3A_33 {dimension_numbers = #tpu.dot_dimension_numbers<[1], [0], [0], [1], [0, 0, 1, 1], [], []>, transpose_lhs_hint = false} : vector<2000x64xf32>, vector<64x128xf32>, vector<2000x128xf32> -> vector<2000x128xf32>
    %add3A_35 = arith.addf %dot_general3A_29, %dot_general3A_34 : vector<2000x128xf32>
    %get3A_36 = arith.constant 0 : index
    %get3A_37 = arith.constant 0 : index
    %get3A_38 = vector.load %arg3[%get3A_36, %get3A_37] : memref<2000x128xf32, #tpu.memory_space<vmem>>, vector<2000x128xf32>
    %get3A_39 = arith.constant 0 : index
    %get3A_40 = arith.constant 0 : index
    %get3A_41 = vector.load %arg5[%get3A_39, %get3A_40] : memref<128x128xf32, #tpu.memory_space<vmem>>, vector<128x128xf32>
    %dot_general3A_42 = arith.constant dense<0.000000e+00> : vector<2000x128xf32>
    %dot_general3A_43 = tpu.matmul %get3A_38, %get3A_41, %dot_general3A_42 {dimension_numbers = #tpu.dot_dimension_numbers<[1], [0], [0], [1], [0, 0, 1, 1], [], []>, transpose_lhs_hint = false} : vector<2000x128xf32>, vector<128x128xf32>, vector<2000x128xf32> -> vector<2000x128xf32>
    %add3A_44 = arith.addf %add3A_35, %dot_general3A_43 : vector<2000x128xf32>
    %get3A_45 = arith.constant 0 : index
    %get3A_46 = arith.constant 0 : index
    %get3A_47 = vector.load %arg6[%get3A_45, %get3A_46] : memref<1x128xf32, #tpu.memory_space<vmem>>, vector<1x128xf32>
    %add3A_48 = vector.broadcast %get3A_47 : vector<1x128xf32> to vector<2000x128xf32>
    %add3A_49 = arith.addf %add3A_44, %add3A_48 : vector<2000x128xf32>
    %max3A_50 = arith.constant 0.000000e+00 : f32
    %max3A_51 = vector.broadcast %max3A_50 : f32 to vector<2000x128xf32>
    %max3A_52 = arith.maximumf %add3A_49, %max3A_51 : vector<2000x128xf32>
    %swap3A = arith.constant 0 : index
    %swap3A_53 = arith.constant 0 : index
    %swap3A_54 = vector.load %arg7[%swap3A, %swap3A_53] : memref<2000x128xf32, #tpu.memory_space<vmem>>, vector<2000x128xf32>
    tpu.vector_store %arg7[%swap3A, %swap3A_53], %max3A_52 {strides = array<i32>} : memref<2000x128xf32, #tpu.memory_space<vmem>>, vector<2000x128xf32>,
    return
  }
  func.func @transform_0(%arg0: i32) -> (i32, i32, i32) {
    %c0_i32 = arith.constant 0 : i32
    %c0_i32_0 = arith.constant 0 : i32
    %c0_i32_1 = arith.constant 0 : i32
    return %c0_i32, %arg0, %c0_i32_0 : i32, i32, i32
  }
  func.func @transform_1(%arg0: i32) -> (i32, i32, i32) {
    %c0_i32 = arith.constant 0 : i32
    %c0_i32_0 = arith.constant 0 : i32
    %c0_i32_1 = arith.constant 0 : i32
    return %c0_i32, %arg0, %c0_i32_0 : i32, i32, i32
  }
  func.func @transform_2(%arg0: i32) -> (i32, i32) {
    %c0_i32 = arith.constant 0 : i32
    %c0_i32_0 = arith.constant 0 : i32
    return %arg0, %c0_i32 : i32, i32
  }
  func.func @transform_3(%arg0: i32) -> (i32, i32) {
    %c0_i32 = arith.constant 0 : i32
    %c0_i32_0 = arith.constant 0 : i32
    %c0_i32_1 = arith.constant 0 : i32
    return %c0_i32, %c0_i32_0 : i32, i32
  }
  func.func @transform_4(%arg0: i32) -> (i32, i32) {
    %c0_i32 = arith.constant 0 : i32
    %c0_i32_0 = arith.constant 0 : i32
    %c0_i32_1 = arith.constant 0 : i32
    return %c0_i32, %c0_i32_0 : i32, i32
  }
  func.func @transform_5(%arg0: i32) -> (i32, i32) {
    %c0_i32 = arith.constant 0 : i32
    %c0_i32_0 = arith.constant 0 : i32
    %c0_i32_1 = arith.constant 0 : i32
    return %c0_i32, %c0_i32_0 : i32, i32
  }
  func.func @transform_6(%arg0: i32) -> (i32, i32) {
    %c0_i32 = arith.constant 0 : i32
    %c0_i32_0 = arith.constant 0 : i32
    return %arg0, %c0_i32 : i32, i32
  }
}

</mosaic_0001>

<sc_bundles>
// kernel: kernel.5.cloned.1.call-start
scs
__scs_entry_jumppad:
0x0: {  	(pc) =	sbr.rel $0x88, $3  }
0x1: {  	(tag) =	ssettag $0x0;
	lr =	simm.s32 $0x1  }
0x2: {  	[smem:$0x3F9C] =	sst lr;
	_ =	strace $0xD0000000  }
0x3: {  	_ = 	snop  }
0x4: {  	_ = 	snop  }
0x5: {  	_ = 	snop  }
0x6: {  	_ = 	snop  }
0x7: {  	_ = 	snop  }
__scs_overlays_trampoline_lowered:
0x8: {  	[smem:$0x3FAB] =	sst s0  }
0x9: {  	[smem:$0x3FAC] =	sst s1  }
0xa: {  	[smem:$0x3FAD] =	sst s2  }
0xb: {  	[smem:$0x3FAE] =	sst s3  }
0xc: {  	[smem:$0x3FAF] =	sst s4  }
0xd: {  	[smem:$0x3FB0] =	sst s5  }
0xe: {  	[smem:$0x3FB1] =	sst s6  }
0xf: {  	[smem:$0x3FB2] =	sst s7  }
0x10: {  	[smem:$0x3FB3] =	sst s8  }
0x11: {  	[smem:$0x3FB4] =	sst s9;
	s0 =	simm.s32 @!p0 $0x0  }
0x12: {  	s1 =	sld [smem:$0x3F9A];
	s0 =	simm.s32 @p0 $0x1  }
0x13: {  	[smem:$0x3FB5] =	sst s0;
	s0 =	simm.s32 @!p1 $0x0  }
0x14: {  	s2 =	sld [smem:$0x3F99];
	s0 =	simm.s32 @p1 $0x1  }
0x15: {  	[smem:$0x3FB6] =	sst s0;
	s0 =	simm.s32 @!p2 $0x0  }
0x16: {  	s3 =	sld [smem:$0x3FDB];
	s0 =	simm.s32 @p2 $0x1  }
0x17: {  	s4 =	simm.s32 $0x1BF5;
	[smem:$0x3FB8] =	sst s0  }
0x18: {  	s0 =	sld [smem:$0x3F9B];
	_ =	swait.ge [sflag:s4], $0x0  }
0x19: {  	s7 =	sld [smem:$0x3F9C]  }
0x1a: {  	s8 =	sadd.s32 $0xFFFFE003, lr  }
0x1b: {  	s9 =	sadd.s32 $0xFFFFFEF7, lr;
	s5 =	simm.s32 $0xFFFFFFFF;
	p2 =	slt.u32 s8, $0xFFFFF086  }
0x1c: {  	p1 =	slt.u32 s9, $0xF7A;
	s5 =	simm.s32 @!p2 $0x0  }
0x1d: {  	s5 =	simm.s32 @p1 $0x1;
	p0 =	seq.s32 s7, s2  }
0x1e: {  	s7 =	smul.u32 @!p0 $0xF7A, s2;
	p2 =	seq.s32 @!p0 s5, $0x0  }
0x1f: {  	s9 =	smul.u32 $0xF7A, s1;
	s8 =	simm.s32 @!p0 $0x1BF5;
	p2 =	por !p2, p0  }
0x20: {  	[sflag:s8] =	ssyncset.s32 @!p0 $0xFFFFF086;
	s6 =	sadd.s32 @!p0 s3, s7;
	s7 =	simm.s32 @!p0 $0x108  }
0x21: {  	s3 =	sadd.s32 s3, s9;
	s6 =	sadd.s32 @!p0 $0x88, s6;
	s7 =	simm.s32 @p2 $0x1082  }
0x22: {  	[simem:s7], [sflag:s8] =	dma.local @!p0 [hbm:s6], $0xF7A  }
0x23: {  	s9 =	sor.u32 $0xD0000000, s2;
	s6 =	simm.s32 $0x108;
	_ =	swait.ge @!p0 [sflag:s8], $0x0  }
0x24: {  	s3 =	sadd.s32 $0x88, s3;
	s6 =	simm.s32 @!p1 $0x1082;
	[sflag:s4] =	ssyncset.s32 $0xFFFFF086  }
0x25: {  	[simem:s6], [sflag:s4] =	dma.local [hbm:s3], $0xF7A  }
0x26: {  	[smem:$0x3F9C] =	sst s1;
	(tag) =	ssettag s2;
	_ =	strace s9  }
0x27: {  	s1 =	sld [smem:$0x3FAC]  }
0x28: {  	s2 =	sld [smem:$0x3FAD]  }
0x29: {  	s4 =	sld [smem:$0x3FAF]  }
0x2a: {  	p0 =	seq.s32 s5, $0x0;
	s5 =	sld [smem:$0x3FB0]  }
0x2b: {  	s6 =	sld [smem:$0x3FB1]  }
0x2c: {  	s7 =	sld [smem:$0x3FB2]  }
0x2d: {  	s3 =	simm.s32 $0x108;
	s8 =	sld [smem:$0x3FB3]  }
0x2e: {  	s3 =	simm.s32 @!p0 $0x1082;
	s9 =	sld [smem:$0x3FB4]  }
0x2f: {  	lr =	sadd.s32 s0, s3;
	s0 =	sld [smem:$0x3FAB]  }
0x30: {  	s3 =	sld [smem:$0x3FAE]  }
0x31: {  	[smem:$0x3FB7] =	sst s10  }
0x32: {  	s10 =	sld [smem:$0x3FB5];
	_ =	sdelay $0x3  }
0x33: {  	p0 =	seq.s32 s10, $0x1;
	s10 =	sld [smem:$0x3FB7];
	_ =	sdelay $0x3  }
0x34: {  	[smem:$0x3FB7] =	sst s10  }
0x35: {  	s10 =	sld [smem:$0x3FB6];
	_ =	sdelay $0x3  }
0x36: {  	p1 =	seq.s32 s10, $0x1;
	s10 =	sld [smem:$0x3FB7];
	_ =	sdelay $0x3  }
0x37: {  	[smem:$0x3FB7] =	sst s10  }
0x38: {  	s10 =	sld [smem:$0x3FB8]  }
0x39: {  	_ = 	snop;
	(pc) =	sbr.ind lr, $3  }
0x3a: {  	_ = 	snop  }
0x3b: {  	_ = 	snop  }
0x3c: {  	p2 =	seq.s32 s10, $0x1;
	s10 =	sld [smem:$0x3FB7]  }
0x3d: {  	_ =	shalt  }
0x3e: {  	_ =	shalt  }
0x3f: {  	_ =	shalt  }
0x40: {  	_ =	shalt  }
0x41: {  	_ =	shalt  }
0x42: {  	_ =	shalt  }
0x43: {  	_ =	shalt  }
0x44: {  	_ =	shalt  }
0x45: {  	_ =	shalt  }
0x46: {  	_ =	shalt  }
0x47: {  	_ =	shalt  }
0x48: {  	_ =	shalt  }
0x49: {  	_ =	shalt  }
0x4a: {  	_ =	shalt  }
0x4b: {  	_ =	shalt  }
0x4c: {  	_ =	shalt  }
0x4d: {  	_ =	shalt  }
0x4e: {  	_ =	shalt  }
0x4f: {  	_ =	shalt  }
0x50: {  	_ =	shalt  }
0x51: {  	_ =	shalt  }
0x52: {  	_ =	shalt  }
0x53: {  	_ =	shalt  }
0x54: {  	_ =	shalt  }
0x55: {  	_ =	shalt  }
0x56: {  	_ =	shalt  }
0x57: {  	_ =	shalt  }
0x58: {  	_ =	shalt  }
0x59: {  	_ =	shalt  }
0x5a: {  	_ =	shalt  }
0x5b: {  	_ =	shalt  }
0x5c: {  	_ =	shalt  }
0x5d: {  	_ =	shalt  }
0x5e: {  	_ =	shalt  }
0x5f: {  	_ =	shalt  }
0x60: {  	_ =	shalt  }
0x61: {  	_ =	shalt  }
0x62: {  	_ =	shalt  }
0x63: {  	_ =	shalt  }
0x64: {  	_ =	shalt  }
0x65: {  	_ =	shalt  }
0x66: {  	_ =	shalt  }
0x67: {  	_ =	shalt  }
0x68: {  	_ =	shalt  }
0x69: {  	_ =	shalt  }
0x6a: {  	_ =	shalt  }
0x6b: {  	_ =	shalt  }
0x6c: {  	_ =	shalt  }
0x6d: {  	_ =	shalt  }
0x6e: {  	_ =	shalt  }
0x6f: {  	_ =	shalt  }
0x70: {  	_ =	shalt  }
0x71: {  	_ =	shalt  }
0x72: {  	_ =	shalt  }
0x73: {  	_ =	shalt  }
0x74: {  	_ =	shalt  }
0x75: {  	_ =	shalt  }
0x76: {  	_ =	shalt  }
0x77: {  	_ =	shalt  }
0x78: {  	_ =	shalt  }
0x79: {  	_ =	shalt  }
0x7a: {  	_ =	shalt  }
0x7b: {  	_ =	shalt  }
0x7c: {  	_ =	shalt  }
0x7d: {  	_ =	shalt  }
0x7e: {  	_ =	shalt  }
0x7f: {  	_ =	shalt  }
0x80: {  	_ =	shalt  }
0x81: {  	_ =	shalt  }
0x82: {  	_ =	shalt  }
0x83: {  	_ =	shalt  }
0x84: {  	_ =	shalt  }
0x85: {  	_ =	shalt  }
0x86: {  	_ =	shalt  }
0x87: {  	_ =	shalt  }
.Lfunc_end0:
.L_simem_size_0:
called_computation_lowered:
.L_overlay_start_0:
0x88: {  	s2 =	sld [smem:$0x3FD9]  }
0x89: {  	s3 =	sld [smem:$0x3FFE];
	_ =	sdelay $0x1  }
0x8a: {  	s1 =	srdreg.scid  }
0x8b: {  	s0 =	sand.u32 $0x1, s1  }
0x8c: {  	s17 =	sshll.u32 s0, $0xA;
	s2 =	sadd.s32 s3, s2  }
0x8d: {  	s2 =	sadd.s32 s2, s17  }
0x8e: {  	[smem:$0x3FC3] =	sst s2  }
0x8f: {  	_ = 	snop  }
0x90: {  	s2 =	sld [smem:$0x3FD0];
	(tm) =	ssettm $0x1  }
0x91: {  	s18 =	sld [smem:$0x3FFB];
	_ =	sdelay $0x3  }
0x92: {  	_ =	strace s18  }
0x93: {  	s3 =	sld [smem:$0x3FFC];
	_ =	sdelay $0x3  }
0x94: {  	_ =	strace s3  }
0x95: {  	s3 =	sld [smem:$0x3FFD];
	_ =	sdelay $0x3  }
0x96: {  	_ =	strace s3  }
0x97: {  	_ =	strace $0x8FFFFFFF  }
0x98: {  	s19 =	sld [smem:$0x3FDB];
	_ =	sdelay $0x1  }
0x99: {  	s4 =	simm.s32 $_scs_section_size  }
0x9a: {  	s5 =	simm.s32 $_size__tile_overlayer_lowered;
	s6 =	simm.s32 $_tile_overlayer_lowered  }
0x9b: {  	s22 =	simm.s32 $0x1BFF;
	s21 =	sshll.u32 s6, $0x1;
	s3 =	sadd.s32 s4, s19  }
0x9c: {  	s7 =	simm.s32 $0x0;
	s20 =	sshll.u32 s5, $0x1;
	s5 =	sadd.s32 s21, s3  }
0x9d: {  	[timem:s7], [sflag:s22] =	dma.local [hbm:s5], s20  }
0x9e: {  	_ =	swait.ge [sflag:s22], s20  }
0x9f: {  	s4 =	ssub.s32 $0x0, s20;
	[sflag:s22] =	ssyncset.done $0x0  }
0xa0: {  	[sflag:s22] =	ssyncadd.s32 s4;
	_ =	sdelay $0x1  }
0xa1: {  	s23 =	simm.s32 $0x1B8B  }
0xa2: {  	_ =	swait.ge [sflag:s23], $0x1  }
0xa3: {  	[sflag:s23] =	ssyncset.done $0x0  }
0xa4: {  	s25 =	simm.s32 $0x1B8E;
	s24 =	sld [smem:$0x3FFE];
	[sflag:s23] =	ssyncadd.s32 $0xFFFFFFFF  }
0xa5: {  	s26 =	simm.s32 $execute0_lowered;
	[smem:$0x3FD2] =	sst s25  }
0xa6: {  	s5 =	sshll.u32 s26, $0x1;
	_ =	strace $0x80000046;
	[dreg:$0x1] =	wrdreg $0xFFFFFFFF  }
0xa7: {  	s28 =	simm.s32 $_size_execute0_lowered;
	s3 =	sadd.s32 s3, s5;
	[dreg:$0x0] =	wrdreg $0x0  }
0xa8: {  	s5 =	sshll.u32 s28, $0x1;
	[dreg:$0x2] =	wrdreg s3  }
0xa9: {  	[dreg:$0x3] =	wrdreg s5  }
0xaa: {  	[dreg:$0x4] =	wrdreg $0xC0  }
0xab: {  	_ =	task [dreg:s7], $0x5FFFF  }
0xac: {  	[dreg:$0x1] =	wrdreg $0xFFFFFFFF  }
0xad: {  	[dreg:$0x0] =	wrdreg $0x60  }
0xae: {  	[dreg:$0x2] =	wrdreg s2  }
0xaf: {  	[dreg:$0x3] =	wrdreg s24  }
0xb0: {  	[dreg:$0x4] =	wrdreg $0xCEE00  }
0xb1: {  	[dreg:$0x5] =	wrdreg $0x16EE00  }
0xb2: {  	[dreg:$0x6] =	wrdreg $0x9  }
0xb3: {  	_ =	task.clear_ibuf [dreg:s7], $0x7FFFF;
	_ =	strace $0x90000046  }
0xb4: {  	s29 =	simm.s32 $0x9;
	_ =	strace $0x80000048  }
0xb5: {  	_ =	swait.ge [sflag:s29], $0x1  }
0xb6: {  	[sflag:s29] =	ssyncadd.s32 $0xFFFFFFFF  }
0xb7: {  	_ =	strace $0x90000048  }
0xb8: {  	_ =	sfence  }
0xb9: {  	s30 =	sld [smem:$0x0];
	_ =	sdelay $0x2  }
0xba: {  	s31 =	sshll.u32 s1, $0xD;
	s1 =	sshrl.u32 s1, $0x2  }
0xbb: {  	s3 =	sand.u32 $0x4000, s31;
	s1 =	sadd.s32 s1, s30  }
0xbc: {  	s0 =	sor.u32 s3, s0;
	s1 =	sshll.u32 s1, $0x11  }
0xbd: {  	s0 =	sor.u32 s1, s0  }
0xbe: {  	s0 =	sadd.s32 $0x8F2B, s0  }
0xbf: {  	[sflag:s0] =	ssyncadd.remote.s32 $0x1  }
0xc0: {  	_ =	sfence.sel $0xFFFF  }
0xc1: {  	[dreg:$0x0] =	wrdreg $0xFFFFFFFF;
	(pc) =	sbr.abs _section_cstart, $3  }
0xc2: {  	[dreg:$0x1] =	wrdreg $0xFFFFFFFF  }
0xc3: {  	_ =	task.clear_ibuf [dreg:s7], $0x2FFFF;
	_ =	strace $0x9FFFFFFF  }
0xc4: {  	(tm) =	ssettm $0x7FFFFFFF  }
0xc5: {  	_ =	shalt  }
tec
execute0_lowered:
.L_overlay_start_1:
0x0: {  	(tag) =	ssettag $0x1  }
0x1: {  	s1 =	rddreg [dreg:$0x0]  }
0x2: {  	s0 =	rddreg [dreg:$0x1];
	s14 =	stileid.u32  }
0x3: {  	s3 =	rddreg [dreg:$0x2];
	s2 =	smul.u32 $0x4E20, s14  }
0x4: {  	s4 =	rddreg [dreg:$0x3];
	s8 =	smul.u32 $0xA000, s14  }
0x5: {  	s6 =	srdreg.scid;
	s5 =	simm.s32 $0x0;
	s10 =	smul.u32 $0x2800, s14  }
0x6: {  	s30 =	simm.s32 $0x9CE0;
	s7 =	sand.u32 $0x1, s6;
	s14 =	smul.u32 $0x280, s14  }
0x7: {  	s31 =	simm.s32 $0xC9E0;
	[smem:$0x7FF] =	sst s5;
	s6 =	smul.u32 $0xA0000, s7  }
0x8: {  	s29 =	simm.s32 $0x1;
	_ =	strace $0x80000047;
	s11 =	smul.u32 $0x28000, s7  }
0x9: {  	s23 =	ssub.s32 $0x2, s7;
	p0 =	seq.s32 s7, $0x1;
	s2 =	sshrl.u32 s2, $0x3  }
0xa: {  	s13 =	sshrl.u32 s23, $0x1;
	s25 =	sor.u32 $0x50, s14;
	s15 =	sadd.s32 $0xF0, s14  }
0xb: {  	s18 =	sadd.s32 $0x140, s14;
	s21 =	sadd.s32 $0x190, s14;
	s9 =	sadd.s32 s8, s6  }
0xc: {  	s6 =	sadd.s32 $0x14E00, s0;
	s2 =	sadd.s32 s2, s0;
	s22 =	sadd.s32 s10, s11  }
0xd: {  	s11 =	ssub.s32 s23, s13;
	s10 =	sadd.s32 s10, s4;
	s26 =	sshll.u32 s25, $0x6  }
0xe: {  	s16 =	sshll.u32 s15, $0x6;
	s17 =	sshll.u32 s15, $0x4;
	s19 =	sshll.u32 s18, $0x6  }
0xf: {  	s23 =	sadd.s32 $0x1E0, s14;
	s9 =	sshrl.u32 s9, $0x3;
	s24 =	sadd.s32 $0x1400, s2  }
0x10: {  	s2 =	sadd.s32 $0xB040, s2;
	s7 =	sshll.u32 s23, $0x4;
	s28 =	smax.u32 s11, $0x1  }
0x11: {  	s11 =	simm.s32 $0xB0E0;
	s12 =	sadd.s32 s9, s0;
	[dreg:$0x5] =	wrdreg s24  }
0x12: {  	s9 =	sshrl.u32 s22, $0x3;
	[dreg:$0x6] =	wrdreg s2;
	s2 =	sshll.u32 s25, $0x4  }
0x13: {  	s22 =	sshll.u32 s21, $0x6;
	s24 =	sshll.u32 s23, $0x6;
	s25 =	sadd.s32 $0x230, s14  }
0x14: {  	s0 =	sadd.s32 s9, s0;
	s9 =	sadd.s32 s8, s3;
	s8 =	sadd.s32 s26, s3  }
0x15: {  	s2 =	sadd.s32 s2, s4;
	s26 =	sshll.u32 s25, $0x6;
	[dreg:$0x7] =	wrdreg s8  }
0x16: {  	[dreg:$0x8] =	wrdreg s2;
	s8 =	sadd.s32 $0xA0, s14;
	s23 =	sadd.s32 s26, s3  }
0x17: {  	s26 =	sadd.s32 $0x50800, s0;
	s0 =	simm.s32 $0x3;
	s13 =	sshll.u32 s8, $0x6  }
0x18: {  	s14 =	simm.s32 $0x0;
	s2 =	sshll.u32 s8, $0x4;
	s8 =	sadd.s32 s13, s3  }
0x19: {  	s2 =	sadd.s32 s2, s4;
	s13 =	simm.s32 $0xC4E0;
	[dreg:$0x9] =	wrdreg s8  }
0x1a: {  	[dreg:$0xa] =	wrdreg s2;
	s2 =	sadd.s32 s16, s3;
	s8 =	sshll.u32 s18, $0x4  }
0x1b: {  	[dreg:$0xb] =	wrdreg s2;
	s2 =	sadd.s32 s17, s4;
	s20 =	sadd.s32 s8, s4  }
0x1c: {  	s8 =	sadd.s32 s22, s3;
	s22 =	sadd.s32 s7, s4;
	[dreg:$0xc] =	wrdreg s2  }
.Ltmp0:
0x1d: {  	s7 =	simm.s32 $0x2;
	[dreg:$0xe] =	wrdreg s20;
	(pc) =	sbr.rel .LBB2_1-.Ltmp0, $4  }
0x1e: {  	s2 =	sadd.s32 s19, s3;
	[dreg:$0xf] =	wrdreg s8;
	s8 =	simm.s32 $0x50  }
0x1f: {  	[dreg:$0xd] =	wrdreg s2;
	s2 =	sshll.u32 s21, $0x4;
	s21 =	sadd.s32 s24, s3  }
0x20: {  	s20 =	sadd.s32 s2, s4;
	s2 =	sshll.u32 s25, $0x4;
	s25 =	sadd.s32 $0x28800, s12  }
0x21: {  	v0 =	vimm.f32 $0.0e+00;
	v1 =	vimm.s32 $0x0;
	v2 =	vimm.f32 $1.000000000e+00;
	s12 =	simm.s32 $0x5;
	s24 =	sadd.s32 s2, s4;
	s2 =	simm.s32 $0x4  }
.LBB2_10:
0x22: {  	s16 =	sadd.s32 $0x50, s15;
	[sflag:s12] =	ssyncadd.s32 $0xFFFFEC00  }
0x23: {  	[tilespmem:s11], [sflag:$0x2] =	stream.indirect.gather [hbm4b:s1+s8], $0x40, s16, s8, $0xb8;
	[tilespmem:$0x196E0] =	vst v63  }
0x24: {  	_ =	swait.ge [sflag:s29], $0x1400  }
0x25: {  	[sflag:s29] =	ssyncset.done $0x0  }
0x26: {  	s17 =	sadd.s32 $0x4EC0, s15;
	[sflag:s29] =	ssyncadd.s32 $0xFFFFEC00  }
0x27: {  	[spmem:s3] =	stream.indirect.scatter.add.f32 [tilespmem:s30], [sflag:$0x5], $0x40, s17, s8, $0xb8;
	[tilespmem:$0x196E0] =	vst v63  }
0x28: {  	_ =	swait.ge [sflag:s12], $0x1400  }
0x29: {  	[sflag:s12] =	ssyncset.done $0x0  }
0x2a: {  	[sflag:s12] =	ssyncadd.s32 $0xFFFFEC00  }
0x2b: {  	[spmem:s4] =	stream.indirect.scatter.add.f32 [tilespmem:s13], [sflag:$0x5], $0x10, s17, s8, $0xb8;
	[tilespmem:$0x196E0] =	vst v63  }
0x2c: {  	_ =	swait.ge [sflag:s12], $0x500  }
0x2d: {  	[sflag:s12] =	ssyncset.done $0x0  }
0x2e: {  	s18 =	sadd.s32 $0xA0, s15;
	[sflag:s12] =	ssyncadd.s32 $0xFFFFFB00  }
0x2f: {  	[tilespmem:s30], [sflag:$0x1] =	stream.indirect.gather [hbm4b:s1+s8], $0x40, s18, s8, $0xb8;
	[tilespmem:$0x196E0] =	vst v63  }
0x30: {  	_ =	swait.ge [sflag:s7], $0x1400  }
0x31: {  	[sflag:s7] =	ssyncset.done $0x0  }
0x32: {  	s19 =	sadd.s32 $0x4F10, s15;
	[sflag:s7] =	ssyncadd.s32 $0xFFFFEC00  }
0x33: {  	[spmem:s3] =	stream.indirect.scatter.add.f32 [tilespmem:s11], [sflag:$0x5], $0x40, s19, s8, $0xb8;
	[tilespmem:$0x196E0] =	vst v63  }
0x34: {  	_ =	swait.ge [sflag:s12], $0x1400  }
0x35: {  	[sflag:s12] =	ssyncset.done $0x0  }
0x36: {  	[sflag:s12] =	ssyncadd.s32 $0xFFFFEC00  }
.LBB2_14:
0x37: {  	_ =	swait.ge [sflag:s29], $0x1400;
	s15 =	stileid.u32  }
0x38: {  	s17 =	sshrl.u32 s9, $0x3;
	s19 =	sshrl.u32 s10, $0x3;
	[sflag:s29] =	ssyncset.done $0x0  }
0x39: {  	s14 =	sadd.s32 $0x1, s14;
	s15 =	sshll.u32 s15, $0x6;
	[sflag:s29] =	ssyncadd.s32 $0xFFFFEC00  }
0x3a: {  	s16 =	sor.u32 $0x1C01, s15;
	s15 =	sor.u32 $0x1C02, s15;
	[bflag:$0x0] =	sbarrier.arrive $0xFFFF  }
0x3b: {  	[hbm:s25], [sflag:s16] =	dma.local [spmem:s17], $0x1400  }
0x3c: {  	[hbm:s26], [sflag:s15] =	dma.local [spmem:s19], $0x500  }
0x3d: {  	p1 =	sne.s32 s14, s28;
	_ =	swait.ge [sflag:s29], $0x1400  }
.Ltmp1:
0x3e: {  	[sflag:s29] =	ssyncset.done $0x0;
	(pc) =	sbr.rel @!p1 .LBB2_15-.Ltmp1, $4  }
0x3f: {  	[sflag:s29] =	ssyncadd.s32 $0xFFFFEC00  }
0x40: {  	_ =	swait.ge [sflag:s7], $0x500  }
0x41: {  	[sflag:s7] =	ssyncset.done $0x0  }
0x42: {  	[sflag:s7] =	ssyncadd.s32 $0xFFFFFB00  }
.LBB2_1:
0x43: {  	s15 =	sand.u32 $0x7F00, s5  }
0x44: {  	s16 =	sand.u32 $0x30, s5;
	s17 =	sshrl.u32 s15, $0x2  }
0x45: {  	s15 =	simm.s32 $0x40;
	s17 =	sor.u32 s16, s17;
	s16 =	simm.s32 $0x0  }
.LBB2_2:
0x46: {  	p1 =	sne.s32 s15, $0x4FC0  }
0x47: {  	[tilespmem:s17+$0x9CE0] =	vst v0;
	s16 =	sadd.s32 $0x10, s16;
	s17 =	smov.u32 s15;
	s15 =	sadd.s32 $0x40, s15  }
.Ltmp2:
0x48: {  	(pc) =	sbr.rel @p1 .LBB2_2-.Ltmp2, $4  }
0x49: {  	_ = 	snop  }
0x4a: {  	s17 =	sand.u32 $0x7F00, s17  }
0x4b: {  	s18 =	sand.u32 $0x30, s16;
	s17 =	sshrl.u32 s17, $0x2  }
0x4c: {  	s17 =	sor.u32 s18, s17  }
0x4d: {  	[tilespmem:s17+$0x9CE0] =	vst v0  }
0x4e: {  	[tilespmem:$0x4E20] =	vst v1  }
0x4f: {  	[tilespmem:$0x4E30] =	vst v1  }
0x50: {  	[tilespmem:$0x4E40] =	vst v1  }
0x51: {  	[tilespmem:$0x4E50] =	vst v1  }
0x52: {  	[tilespmem:$0x4E60] =	vst v1  }
0x53: {  	[tilespmem:$0x4E70] =	vst v1  }
0x54: {  	[tilespmem:$0x4E80] =	vst v1  }
0x55: {  	[tilespmem:$0x4E90] =	vst v1  }
0x56: {  	[tilespmem:$0x4EA0] =	vst v1  }
0x57: {  	s15 =	simm.s32 $0x40;
	s16 =	simm.s32 $0x0;
	[tilespmem:$0x4EB0] =	vst v1  }
.LBB2_4:
0x58: {  	p1 =	sne.s32 s15, $0x13C0;
	[tilespmem:s16+$0xC9E0] =	vst v0;
	s16 =	smov.u32 s15;
	s15 =	sadd.s32 $0x40, s15  }
.Ltmp3:
0x59: {  	(pc) =	sbr.rel @p1 .LBB2_4-.Ltmp3, $2  }
0x5a: {  	_ =	sdelay $0x2  }
0x5b: {  	s16 =	sshra.s32 s16, $0x2  }
0x5c: {  	[tilespmem:s16+$0xC9E0] =	vst v0;
	s15 =	simm.s32 $0x40;
	s16 =	simm.s32 $0x0  }
.LBB2_6:
0x5d: {  	p1 =	sne.s32 s15, $0x13C0;
	[tilespmem:s16+$0xC4E0] =	vst v2;
	s16 =	smov.u32 s15;
	s15 =	sadd.s32 $0x40, s15  }
.Ltmp4:
0x5e: {  	(pc) =	sbr.rel @p1 .LBB2_6-.Ltmp4, $2  }
0x5f: {  	_ =	sdelay $0x2  }
0x60: {  	s16 =	sshra.s32 s16, $0x2  }
0x61: {  	[tilespmem:s16+$0xC4E0] =	vst v2;
	s15 =	rddreg [dreg:$0x5]  }
0x62: {  	[tilespmem:s5], [sflag:$0x3] =	stream.linear.gather [hbm4b:s15+s5], $0x4E20, $0x38;
	[tilespmem:$0x196E0] =	vst v63  }
0x63: {  	s17 =	rddreg [dreg:$0x6];
	s18 =	simm.s32 $0x4EC0  }
0x64: {  	[tilespmem:s18], [sflag:$0x4] =	stream.linear.gather [hbm4b:s17+s5], $0x4E20, $0x38;
	[tilespmem:$0x196E0] =	vst v63  }
0x65: {  	_ = 	snop  }
0x66: {  	[spmem:s9] =	stream.linear.scatter [tilespmem:s30], [sflag:$0x1], $0x1400, $0x38;
	[tilespmem:$0x196E0] =	vst v63  }
0x67: {  	_ = 	snop  }
0x68: {  	[spmem:s10] =	stream.linear.scatter [tilespmem:s31], [sflag:$0x2], $0x500, $0x38;
	[tilespmem:$0x196E0] =	vst v63  }
0x69: {  	s19 =	rddreg [dreg:$0x7]  }
0x6a: {  	[spmem:s19] =	stream.linear.scatter [tilespmem:s30], [sflag:$0x1], $0x1400, $0x38;
	[tilespmem:$0x196E0] =	vst v63  }
0x6b: {  	s16 =	rddreg [dreg:$0x8]  }
0x6c: {  	[spmem:s16] =	stream.linear.scatter [tilespmem:s31], [sflag:$0x2], $0x500, $0x38;
	[tilespmem:$0x196E0] =	vst v63  }
0x6d: {  	s17 =	rddreg [dreg:$0x9]  }
0x6e: {  	[spmem:s17] =	stream.linear.scatter [tilespmem:s30], [sflag:$0x1], $0x1400, $0x38;
	[tilespmem:$0x196E0] =	vst v63  }
0x6f: {  	s18 =	rddreg [dreg:$0xa]  }
0x70: {  	[spmem:s18] =	stream.linear.scatter [tilespmem:s31], [sflag:$0x2], $0x500, $0x38;
	[tilespmem:$0x196E0] =	vst v63  }
0x71: {  	s19 =	rddreg [dreg:$0xb]  }
0x72: {  	[spmem:s19] =	stream.linear.scatter [tilespmem:s30], [sflag:$0x1], $0x1400, $0x38;
	[tilespmem:$0x196E0] =	vst v63  }
0x73: {  	s16 =	rddreg [dreg:$0xc]  }
0x74: {  	[spmem:s16] =	stream.linear.scatter [tilespmem:s31], [sflag:$0x2], $0x500, $0x38;
	[tilespmem:$0x196E0] =	vst v63  }
0x75: {  	s17 =	rddreg [dreg:$0xd]  }
0x76: {  	[spmem:s17] =	stream.linear.scatter [tilespmem:s30], [sflag:$0x1], $0x1400, $0x38;
	[tilespmem:$0x196E0] =	vst v63  }
0x77: {  	s18 =	rddreg [dreg:$0xe]  }
0x78: {  	[spmem:s18] =	stream.linear.scatter [tilespmem:s31], [sflag:$0x2], $0x500, $0x38;
	[tilespmem:$0x196E0] =	vst v63  }
0x79: {  	s19 =	rddreg [dreg:$0xf]  }
0x7a: {  	[spmem:s19] =	stream.linear.scatter [tilespmem:s30], [sflag:$0x1], $0x1400, $0x38;
	[tilespmem:$0x196E0] =	vst v63  }
0x7b: {  	_ = 	snop  }
0x7c: {  	[spmem:s20] =	stream.linear.scatter [tilespmem:s31], [sflag:$0x2], $0x500, $0x38;
	[tilespmem:$0x196E0] =	vst v63  }
0x7d: {  	_ = 	snop  }
0x7e: {  	[spmem:s21] =	stream.linear.scatter [tilespmem:s30], [sflag:$0x1], $0x1400, $0x38;
	[tilespmem:$0x196E0] =	vst v63  }
0x7f: {  	_ = 	snop  }
0x80: {  	[spmem:s22] =	stream.linear.scatter [tilespmem:s31], [sflag:$0x2], $0x500, $0x38;
	[tilespmem:$0x196E0] =	vst v63  }
0x81: {  	_ = 	snop  }
0x82: {  	[spmem:s23] =	stream.linear.scatter [tilespmem:s30], [sflag:$0x1], $0x1400, $0x38;
	[tilespmem:$0x196E0] =	vst v63  }
0x83: {  	_ = 	snop  }
0x84: {  	[spmem:s24] =	stream.linear.scatter [tilespmem:s31], [sflag:$0x2], $0x500, $0x38;
	[tilespmem:$0x196E0] =	vst v63  }
0x85: {  	_ =	swait.ge [sflag:s0], $0x4E20  }
0x86: {  	[sflag:s0] =	ssyncset.done $0x0  }
0x87: {  	[sflag:s0] =	ssyncadd.s32 $0xFFFFB1E0  }
0x88: {  	_ =	swait.ge [sflag:s2], $0x4E20  }
0x89: {  	[sflag:s2] =	ssyncset.done $0x0  }
0x8a: {  	[sflag:s2] =	ssyncadd.s32 $0xFFFFB1E0  }
0x8b: {  	_ =	swait.ge [sflag:s29], $0x1400  }
0x8c: {  	[sflag:s29] =	ssyncset.done $0x0  }
0x8d: {  	[sflag:s29] =	ssyncadd.s32 $0xFFFFEC00  }
0x8e: {  	_ =	swait.ge [sflag:s7], $0x500  }
0x8f: {  	[sflag:s7] =	ssyncset.done $0x0  }
0x90: {  	[sflag:s7] =	ssyncadd.s32 $0xFFFFFB00  }
0x91: {  	_ =	swait.ge [sflag:s29], $0x1400  }
0x92: {  	[sflag:s29] =	ssyncset.done $0x0  }
0x93: {  	[sflag:s29] =	ssyncadd.s32 $0xFFFFEC00  }
0x94: {  	_ =	swait.ge [sflag:s7], $0x500  }
0x95: {  	[sflag:s7] =	ssyncset.done $0x0  }
0x96: {  	[sflag:s7] =	ssyncadd.s32 $0xFFFFFB00  }
0x97: {  	_ =	swait.ge [sflag:s29], $0x1400  }
0x98: {  	[sflag:s29] =	ssyncset.done $0x0  }
0x99: {  	[sflag:s29] =	ssyncadd.s32 $0xFFFFEC00  }
0x9a: {  	_ =	swait.ge [sflag:s7], $0x500  }
0x9b: {  	[sflag:s7] =	ssyncset.done $0x0  }
0x9c: {  	[sflag:s7] =	ssyncadd.s32 $0xFFFFFB00  }
0x9d: {  	_ =	swait.ge [sflag:s29], $0x1400  }
0x9e: {  	[sflag:s29] =	ssyncset.done $0x0  }
0x9f: {  	[sflag:s29] =	ssyncadd.s32 $0xFFFFEC00  }
0xa0: {  	_ =	swait.ge [sflag:s7], $0x500  }
0xa1: {  	[sflag:s7] =	ssyncset.done $0x0  }
0xa2: {  	[sflag:s7] =	ssyncadd.s32 $0xFFFFFB00  }
0xa3: {  	_ =	swait.ge [sflag:s29], $0x1400  }
0xa4: {  	[sflag:s29] =	ssyncset.done $0x0  }
0xa5: {  	[sflag:s29] =	ssyncadd.s32 $0xFFFFEC00  }
0xa6: {  	_ =	swait.ge [sflag:s7], $0x500  }
0xa7: {  	[sflag:s7] =	ssyncset.done $0x0  }
0xa8: {  	[sflag:s7] =	ssyncadd.s32 $0xFFFFFB00  }
0xa9: {  	_ =	swait.ge [sflag:s29], $0x1400  }
0xaa: {  	[sflag:s29] =	ssyncset.done $0x0  }
0xab: {  	[sflag:s29] =	ssyncadd.s32 $0xFFFFEC00  }
0xac: {  	_ =	swait.ge [sflag:s7], $0x500  }
0xad: {  	[sflag:s7] =	ssyncset.done $0x0  }
0xae: {  	[sflag:s7] =	ssyncadd.s32 $0xFFFFFB00  }
0xaf: {  	_ =	swait.ge [sflag:s29], $0x1400  }
0xb0: {  	[sflag:s29] =	ssyncset.done $0x0  }
0xb1: {  	[sflag:s29] =	ssyncadd.s32 $0xFFFFEC00  }
0xb2: {  	_ =	swait.ge [sflag:s7], $0x500  }
0xb3: {  	[sflag:s7] =	ssyncset.done $0x0  }
0xb4: {  	[sflag:s7] =	ssyncadd.s32 $0xFFFFFB00  }
0xb5: {  	_ =	swait.ge [sflag:s29], $0x1400  }
0xb6: {  	[sflag:s29] =	ssyncset.done $0x0  }
0xb7: {  	[sflag:s29] =	ssyncadd.s32 $0xFFFFEC00  }
.Ltmp5:
0xb8: {  	_ =	swait.ge [sflag:s7], $0x500;
	(pc) =	sbr.rel @!p0 .LBB2_8-.Ltmp5, $4  }
0xb9: {  	[sflag:s7] =	ssyncset.done $0x0  }
0xba: {  	[sflag:s7] =	ssyncadd.s32 $0xFFFFFB00  }
0xbb: {  	[bflag:$0x0] =	sbarrier.arrive $0xFFFF  }
0xbc: {  	s15 =	simm.s32 $0x0  }
0xbd: {  	[tilespmem:s30], [sflag:$0x1] =	stream.indirect.gather [hbm4b:s6+s8], $0x40, s15, s8, $0xb8;
	[tilespmem:$0x196E0] =	vst v63  }
0xbe: {  	s16 =	simm.s32 $0x50  }
0xbf: {  	[tilespmem:s11], [sflag:$0x2] =	stream.indirect.gather [hbm4b:s6+s8], $0x40, s16, s8, $0xb8;
	[tilespmem:$0x196E0] =	vst v63  }
0xc0: {  	_ =	swait.ge [sflag:s29], $0x1400  }
0xc1: {  	[sflag:s29] =	ssyncset.done $0x0  }
0xc2: {  	s17 =	simm.s32 $0x4EC0;
	[sflag:s29] =	ssyncadd.s32 $0xFFFFEC00  }
0xc3: {  	[spmem:s3] =	stream.indirect.scatter.add.f32 [tilespmem:s30], [sflag:$0x5], $0x40, s17, s8, $0xb8;
	[tilespmem:$0x196E0] =	vst v63  }
0xc4: {  	_ =	swait.ge [sflag:s12], $0x1400  }
0xc5: {  	[sflag:s12] =	ssyncset.done $0x0  }
0xc6: {  	s18 =	simm.s32 $0xA0;
	[sflag:s12] =	ssyncadd.s32 $0xFFFFEC00  }
0xc7: {  	[tilespmem:s30], [sflag:$0x1] =	stream.indirect.gather [hbm4b:s6+s8], $0x40, s18, s8, $0xb8;
	[tilespmem:$0x196E0] =	vst v63  }
0xc8: {  	_ =	swait.ge [sflag:s7], $0x1400  }
0xc9: {  	[sflag:s7] =	ssyncset.done $0x0  }
0xca: {  	s19 =	simm.s32 $0x4F10;
	[sflag:s7] =	ssyncadd.s32 $0xFFFFEC00  }
0xcb: {  	[spmem:s3] =	stream.indirect.scatter.add.f32 [tilespmem:s11], [sflag:$0x5], $0x40, s19, s8, $0xb8;
	[tilespmem:$0x196E0] =	vst v63  }
0xcc: {  	_ =	swait.ge [sflag:s12], $0x1400  }
0xcd: {  	[sflag:s12] =	ssyncset.done $0x0  }
0xce: {  	[sflag:s12] =	ssyncadd.s32 $0xFFFFEC00  }
0xcf: {  	[spmem:s4] =	stream.indirect.scatter.add.f32 [tilespmem:s13], [sflag:$0x5], $0x10, s19, s8, $0xb8;
	[tilespmem:$0x196E0] =	vst v63  }
0xd0: {  	_ =	swait.ge [sflag:s12], $0x500  }
0xd1: {  	s15 =	simm.s32 $0xA0;
	s16 =	simm.s32 $0x500;
	[sflag:s12] =	ssyncset.done $0x0  }
.LBB2_12:
0xd2: {  	s17 =	sadd.s32 $0x50, s15  }
0xd3: {  	[sflag:s12] =	ssyncadd.s32 $0xFFFFFB00;
	s18 =	smov.u32 s16;
	s19 =	sadd.s32 $0x280, s16  }
0xd4: {  	[tilespmem:s11], [sflag:$0x2] =	stream.indirect.gather [hbm4b:s6+s8], $0x40, s17, s8, $0xb8;
	[tilespmem:$0x196E0] =	vst v63  }
0xd5: {  	p1 =	sne.s32 s16, $0x13600;
	_ =	swait.ge [sflag:s29], $0x1400  }
0xd6: {  	[sflag:s29] =	ssyncset.done $0x0  }
0xd7: {  	s16 =	sadd.s32 $0x4EC0, s15;
	[sflag:s29] =	ssyncadd.s32 $0xFFFFEC00  }
0xd8: {  	[spmem:s3] =	stream.indirect.scatter.add.f32 [tilespmem:s30], [sflag:$0x5], $0x40, s16, s8, $0xb8;
	[tilespmem:$0x196E0] =	vst v63  }
0xd9: {  	_ =	swait.ge [sflag:s12], $0x1400  }
0xda: {  	[sflag:s12] =	ssyncset.done $0x0  }
0xdb: {  	s16 =	sadd.s32 $0xA0, s15;
	[sflag:s12] =	ssyncadd.s32 $0xFFFFEC00  }
0xdc: {  	[tilespmem:s30], [sflag:$0x1] =	stream.indirect.gather [hbm4b:s6+s8], $0x40, s16, s8, $0xb8;
	[tilespmem:$0x196E0] =	vst v63  }
0xdd: {  	_ =	swait.ge [sflag:s7], $0x1400  }
0xde: {  	[sflag:s7] =	ssyncset.done $0x0  }
0xdf: {  	s15 =	sadd.s32 $0x4F10, s15;
	[sflag:s7] =	ssyncadd.s32 $0xFFFFEC00  }
0xe0: {  	[spmem:s3] =	stream.indirect.scatter.add.f32 [tilespmem:s11], [sflag:$0x5], $0x40, s15, s8, $0xb8;
	[tilespmem:$0x196E0] =	vst v63  }
0xe1: {  	_ =	swait.ge [sflag:s12], $0x1400  }
.Ltmp6:
0xe2: {  	[sflag:s12] =	ssyncset.done $0x0;
	(pc) =	sbr.rel @p1 .LBB2_12-.Ltmp6, $4  }
0xe3: {  	[sflag:s12] =	ssyncadd.s32 $0xFFFFEC00  }
0xe4: {  	[spmem:s4] =	stream.indirect.scatter.add.f32 [tilespmem:s13], [sflag:$0x5], $0x10, s15, s8, $0xb8;
	[tilespmem:$0x196E0] =	vst v63  }
0xe5: {  	_ =	swait.ge [sflag:s12], $0x500  }
0xe6: {  	s16 =	smov.u32 s19;
	s15 =	sshra.s32 s18, $0x2;
	[sflag:s12] =	ssyncset.done $0x0  }
0xe7: {  	s16 =	sadd.s32 $0x50, s15;
	[sflag:s12] =	ssyncadd.s32 $0xFFFFFB00  }
0xe8: {  	[tilespmem:s11], [sflag:$0x2] =	stream.indirect.gather [hbm4b:s6+s8], $0x40, s16, s8, $0xb8;
	[tilespmem:$0x196E0] =	vst v63  }
0xe9: {  	_ =	swait.ge [sflag:s29], $0x1400  }
0xea: {  	[sflag:s29] =	ssyncset.done $0x0  }
0xeb: {  	s17 =	sadd.s32 $0x4EC0, s15;
	[sflag:s29] =	ssyncadd.s32 $0xFFFFEC00  }
0xec: {  	[spmem:s3] =	stream.indirect.scatter.add.f32 [tilespmem:s30], [sflag:$0x5], $0x40, s17, s8, $0xb8;
	[tilespmem:$0x196E0] =	vst v63  }
0xed: {  	_ =	swait.ge [sflag:s12], $0x1400  }
0xee: {  	[sflag:s12] =	ssyncset.done $0x0  }
0xef: {  	s18 =	sadd.s32 $0xA0, s15;
	[sflag:s12] =	ssyncadd.s32 $0xFFFFEC00  }
0xf0: {  	[tilespmem:s30], [sflag:$0x1] =	stream.indirect.gather [hbm4b:s6+s8], $0x40, s18, s8, $0xb8;
	[tilespmem:$0x196E0] =	vst v63  }
0xf1: {  	_ =	swait.ge [sflag:s7], $0x1400  }
0xf2: {  	[sflag:s7] =	ssyncset.done $0x0  }
0xf3: {  	s19 =	sadd.s32 $0x4F10, s15;
	[sflag:s7] =	ssyncadd.s32 $0xFFFFEC00  }
0xf4: {  	[spmem:s3] =	stream.indirect.scatter.add.f32 [tilespmem:s11], [sflag:$0x5], $0x40, s19, s8, $0xb8;
	[tilespmem:$0x196E0] =	vst v63  }
0xf5: {  	_ =	swait.ge [sflag:s12], $0x1400  }
0xf6: {  	[sflag:s12] =	ssyncset.done $0x0  }
.Ltmp7:
0xf7: {  	[sflag:s12] =	ssyncadd.s32 $0xFFFFEC00;
	(pc) =	sbr.rel .LBB2_14-.Ltmp7, $4  }
0xf8: {  	[spmem:s4] =	stream.indirect.scatter.add.f32 [tilespmem:s13], [sflag:$0x5], $0x10, s19, s8, $0xb8;
	[tilespmem:$0x196E0] =	vst v63  }
0xf9: {  	_ =	swait.ge [sflag:s12], $0x500  }
0xfa: {  	[sflag:s12] =	ssyncset.done $0x0  }
0xfb: {  	[sflag:s12] =	ssyncadd.s32 $0xFFFFFB00  }
.LBB2_8:
0xfc: {  	[tilespmem:s30], [sflag:$0x1] =	stream.indirect.gather [hbm4b:s1+s8], $0x40, s15, s8, $0xb8;
	[tilespmem:$0x196E0] =	vst v63  }
0xfd: {  	s16 =	simm.s32 $0x50  }
0xfe: {  	[tilespmem:s11], [sflag:$0x2] =	stream.indirect.gather [hbm4b:s1+s8], $0x40, s16, s8, $0xb8;
	[tilespmem:$0x196E0] =	vst v63  }
0xff: {  	_ =	swait.ge [sflag:s29], $0x1400  }
0x100: {  	[sflag:s29] =	ssyncset.done $0x0  }
0x101: {  	s17 =	simm.s32 $0x4EC0;
	[sflag:s29] =	ssyncadd.s32 $0xFFFFEC00  }
0x102: {  	[spmem:s3] =	stream.indirect.scatter.add.f32 [tilespmem:s30], [sflag:$0x5], $0x40, s17, s8, $0xb8;
	[tilespmem:$0x196E0] =	vst v63  }
0x103: {  	_ =	swait.ge [sflag:s12], $0x1400  }
0x104: {  	[sflag:s12] =	ssyncset.done $0x0  }
0x105: {  	[sflag:s12] =	ssyncadd.s32 $0xFFFFEC00  }
0x106: {  	[spmem:s4] =	stream.indirect.scatter.add.f32 [tilespmem:s13], [sflag:$0x5], $0x10, s17, s8, $0xb8;
	[tilespmem:$0x196E0] =	vst v63  }
0x107: {  	_ =	swait.ge [sflag:s12], $0x500  }
0x108: {  	[sflag:s12] =	ssyncset.done $0x0  }
0x109: {  	s18 =	simm.s32 $0xA0;
	[sflag:s12] =	ssyncadd.s32 $0xFFFFFB00  }
0x10a: {  	[tilespmem:s30], [sflag:$0x1] =	stream.indirect.gather [hbm4b:s1+s8], $0x40, s18, s8, $0xb8;
	[tilespmem:$0x196E0] =	vst v63  }
0x10b: {  	_ =	swait.ge [sflag:s7], $0x1400  }
0x10c: {  	[sflag:s7] =	ssyncset.done $0x0  }
0x10d: {  	s19 =	simm.s32 $0x4F10;
	[sflag:s7] =	ssyncadd.s32 $0xFFFFEC00  }
0x10e: {  	[spmem:s3] =	stream.indirect.scatter.add.f32 [tilespmem:s11], [sflag:$0x5], $0x40, s19, s8, $0xb8;
	[tilespmem:$0x196E0] =	vst v63  }
0x10f: {  	_ =	swait.ge [sflag:s12], $0x1400  }
0x110: {  	s15 =	simm.s32 $0xA0;
	s16 =	simm.s32 $0x500;
	[sflag:s12] =	ssyncset.done $0x0  }
.LBB2_9:
0x111: {  	s17 =	sadd.s32 $0x50, s15  }
0x112: {  	[sflag:s12] =	ssyncadd.s32 $0xFFFFEC00;
	s18 =	smov.u32 s16;
	s19 =	sadd.s32 $0x280, s16  }
0x113: {  	[tilespmem:s11], [sflag:$0x2] =	stream.indirect.gather [hbm4b:s1+s8], $0x40, s17, s8, $0xb8;
	[tilespmem:$0x196E0] =	vst v63  }
0x114: {  	p1 =	seq.s32 s16, $0x13600;
	_ =	swait.ge [sflag:s29], $0x1400  }
0x115: {  	[sflag:s29] =	ssyncset.done $0x0  }
0x116: {  	s16 =	sadd.s32 $0x4EC0, s15;
	[sflag:s29] =	ssyncadd.s32 $0xFFFFEC00  }
0x117: {  	[spmem:s3] =	stream.indirect.scatter.add.f32 [tilespmem:s30], [sflag:$0x5], $0x40, s16, s8, $0xb8;
	[tilespmem:$0x196E0] =	vst v63  }
0x118: {  	_ =	swait.ge [sflag:s12], $0x1400  }
0x119: {  	[sflag:s12] =	ssyncset.done $0x0  }
0x11a: {  	[sflag:s12] =	ssyncadd.s32 $0xFFFFEC00  }
0x11b: {  	[spmem:s4] =	stream.indirect.scatter.add.f32 [tilespmem:s13], [sflag:$0x5], $0x10, s16, s8, $0xb8;
	[tilespmem:$0x196E0] =	vst v63  }
0x11c: {  	_ =	swait.ge [sflag:s12], $0x500  }
0x11d: {  	[sflag:s12] =	ssyncset.done $0x0  }
0x11e: {  	s16 =	sadd.s32 $0xA0, s15;
	[sflag:s12] =	ssyncadd.s32 $0xFFFFFB00  }
0x11f: {  	[tilespmem:s30], [sflag:$0x1] =	stream.indirect.gather [hbm4b:s1+s8], $0x40, s16, s8, $0xb8;
	[tilespmem:$0x196E0] =	vst v63  }
0x120: {  	_ =	swait.ge [sflag:s7], $0x1400  }
.Ltmp8:
0x121: {  	[sflag:s7] =	ssyncset.done $0x0;
	(pc) =	sbr.rel @!p1 .LBB2_9-.Ltmp8, $4  }
0x122: {  	s15 =	sadd.s32 $0x4F10, s15;
	[sflag:s7] =	ssyncadd.s32 $0xFFFFEC00  }
0x123: {  	[spmem:s3] =	stream.indirect.scatter.add.f32 [tilespmem:s11], [sflag:$0x5], $0x40, s15, s8, $0xb8;
	[tilespmem:$0x196E0] =	vst v63  }
0x124: {  	_ =	swait.ge [sflag:s12], $0x1400  }
0x125: {  	s16 =	smov.u32 s19;
	s15 =	sshra.s32 s18, $0x2;
	[sflag:s12] =	ssyncset.done $0x0  }
.Ltmp9:
0x126: {  	_ = 	snop;
	(pc) =	sbr.rel .LBB2_10-.Ltmp9, $1  }
0x127: {  	_ =	sdelay $0x3  }
.LBB2_15:
0x128: {  	_ =	sfence.sel $0x180000  }
0x129: {  	[bflag:$0x0] =	sbarrier.arrive $0xFFFF  }
0x12a: {  	_ =	strace $0x90000047  }
0x12b: {  	s0 =	stileid.u32;
	[bflag:$0x2] =	sbarrier.arrive $0xFFFF  }
0x12c: {  	p0 =	sne.s32 s0, $0x0;
	s0 =	rddreg [dreg:$0x4]  }
0x12d: {  	s0 =	sadd.s32 @!p0 $0x100000, s0  }
0x12e: {  	[sflag:s0] =	ssyncadd.tile.s32 @!p0 $0x1;
	_ =	shalt  }
.Lfunc_end2:
_tile_overlayer_lowered:
.L_overlay_start_2:
0x12f: {  	(tag) =	ssettag $0x2  }
0x130: {  	s0 =	rddreg [dreg:$0x0];
	s2 =	stileid.u32  }
0x131: {  	s1 =	rddreg [dreg:$0x1];
	p0 =	sne.s32 s2, $0x0  }
0x132: {  	s3 =	rddreg [dreg:$0x2];
	[bflag:$0x3] =	sbarrier.arrive $0xFFFF;
	s2 =	simm.s32 @!p0 $0x1C05  }
0x133: {  	[timem:s3], [sflag:s2] =	dma.local @!p0 [hbm:s0], s1  }
0x134: {  	s0 =	simm.s32 @!p0 $0x5  }
0x135: {  	_ =	swait.ge @!p0 [sflag:s0], s1  }
0x136: {  	s1 =	ssub.s32 @!p0 $0x0, s1;
	[sflag:s0] =	ssyncset.done @!p0 $0x0  }
0x137: {  	[sflag:s0] =	ssyncadd.s32 @!p0 s1  }
0x138: {  	[bflag:$0x3] =	sbarrier.arrive $0xFFFF  }
0x139: {  	_ =	shalt  }

</sc_bundles>
